<compile_context>
chip_gen: v7x
topology: tpu7x:2x2x1
jax: 0.10.2.dev20260603
libtpu: 0.0.44.dev20260713+nightly
codegen_flags: <defaults>
</compile_context>

<pallas_src>
import functools

import jax
import jax.numpy as jnp
from jax import lax
from jax.experimental import pallas as pl
from jax.experimental.pallas import tpu as pltpu
from jax.experimental.pallas import tpu_sc as plsc

B = 16384
V = 1000000
CH = 65536
SH = 16
NBLK = (V + CH - 1) // CH
D = 16
L = 16
NC = 2
NS = 16
NW = NC * NS
BPW = B // NW
NCHUNK = BPW // L


def _flatten_body(in_ref, out_ref):
    for d in range(D):
        out_ref[pl.ds(d * CH, CH)] = in_ref[d]


def _flatten_dmajor(table):
    return pl.pallas_call(
        _flatten_body,
        grid=(NBLK,),
        in_specs=[pl.BlockSpec((D, CH), lambda i: (0, i))],
        out_specs=pl.BlockSpec((D * CH,), lambda i: (i,)),
        out_shape=jax.ShapeDtypeStruct((NBLK * D * CH,), jnp.float32),
    )(table.T)


def _sc_mf_body(uid_hbm, iid_hbm, pf_hbm, qf_hbm,
                mf_hbm,
                idx_u, idx_i, idx_pf, idx_qf, pu_c, qi_c, mf_v,
                sem):
    wid = lax.axis_index("s") * NC + lax.axis_index("c")
    base = wid * BPW

    pltpu.sync_copy(uid_hbm.at[pl.ds(base, BPW)], idx_u)
    pltpu.sync_copy(iid_hbm.at[pl.ds(base, BPW)], idx_i)

    def _fix(c, carry):
        o = c * L
        un = idx_u[pl.ds(o, L)] - 1
        u = jnp.where(un < 0, un + V, un)
        vn = idx_i[pl.ds(o, L)] - 1
        v = jnp.where(vn < 0, vn + V, vn)
        ub = ((u >> SH) << (SH + 4)) + (u & (CH - 1))
        vb = ((v >> SH) << (SH + 4)) + (v & (CH - 1))
        for d in range(D):
            idx_pf[pl.ds(d * BPW + o, L)] = ub + (d << SH)
            idx_qf[pl.ds(d * BPW + o, L)] = vb + (d << SH)
        return carry

    lax.fori_loop(0, NCHUNK, _fix, 0)

    copies = [
        pltpu.async_copy(pf_hbm.at[idx_pf], pu_c, sem),
        pltpu.async_copy(qf_hbm.at[idx_qf], qi_c, sem),
    ]
    for cp in copies:
        cp.wait()

    def _compute(c, carry):
        o = c * L
        acc = jnp.zeros((L,), jnp.float32)
        for d in range(D):
            pu = pu_c[pl.ds(d * BPW + o, L)]
            qi = qi_c[pl.ds(d * BPW + o, L)]
            acc = acc + pu * qi
        mf_v[pl.ds(o, L)] = acc * 0.8
        return carry

    lax.fori_loop(0, NCHUNK, _compute, 0)

    pltpu.sync_copy(mf_v, mf_hbm.at[pl.ds(base, BPW)])


_sc_mf_call = functools.partial(
    pl.kernel,
    out_type=jax.ShapeDtypeStruct((B,), jnp.float32),
    mesh=plsc.VectorSubcoreMesh(core_axis_name="c", subcore_axis_name="s"),
    compiler_params=pltpu.CompilerParams(use_tc_tiling_on_sc=False),
    scratch_types=[
        pltpu.VMEM((BPW,), jnp.int32),
        pltpu.VMEM((BPW,), jnp.int32),
        pltpu.VMEM((BPW * D,), jnp.int32),
        pltpu.VMEM((BPW * D,), jnp.int32),
        pltpu.VMEM((BPW * D,), jnp.float32),
        pltpu.VMEM((BPW * D,), jnp.float32),
        pltpu.VMEM((BPW,), jnp.float32),
        pltpu.SemaphoreType.DMA,
    ],
)(_sc_mf_body)


def _sc_combine_body(uid_hbm, iid_hbm, al_hbm, be_hbm, mf_hbm,
                     out_hbm,
                     idx_u, idx_i, a_v, b_v, mf_v, out_v, sem):
    wid = lax.axis_index("s") * NC + lax.axis_index("c")
    base = wid * BPW

    pltpu.sync_copy(uid_hbm.at[pl.ds(base, BPW)], idx_u)
    pltpu.sync_copy(iid_hbm.at[pl.ds(base, BPW)], idx_i)
    pltpu.sync_copy(mf_hbm.at[pl.ds(base, BPW)], mf_v)

    def _fix(c, carry):
        o = c * L
        un = idx_u[pl.ds(o, L)] - 1
        idx_u[pl.ds(o, L)] = jnp.where(un < 0, un + V, un)
        vn = idx_i[pl.ds(o, L)] - 1
        idx_i[pl.ds(o, L)] = jnp.where(vn < 0, vn + V, vn)
        return carry

    lax.fori_loop(0, NCHUNK, _fix, 0)

    copies = [
        pltpu.async_copy(al_hbm.at[idx_u], a_v, sem),
        pltpu.async_copy(be_hbm.at[idx_i], b_v, sem),
    ]
    for cp in copies:
        cp.wait()

    def _combine(c, carry):
        o = c * L
        out_v[pl.ds(o, L)] = (mf_v[pl.ds(o, L)] + a_v[pl.ds(o, L)]
                              + b_v[pl.ds(o, L)])
        return carry

    lax.fori_loop(0, NCHUNK, _combine, 0)

    pltpu.sync_copy(out_v, out_hbm.at[pl.ds(base, BPW)])


_sc_combine_call = functools.partial(
    pl.kernel,
    out_type=jax.ShapeDtypeStruct((B,), jnp.float32),
    mesh=plsc.VectorSubcoreMesh(core_axis_name="c", subcore_axis_name="s"),
    compiler_params=pltpu.CompilerParams(use_tc_tiling_on_sc=False),
    scratch_types=[
        pltpu.VMEM((BPW,), jnp.int32),
        pltpu.VMEM((BPW,), jnp.int32),
        pltpu.VMEM((BPW,), jnp.float32),
        pltpu.VMEM((BPW,), jnp.float32),
        pltpu.VMEM((BPW,), jnp.float32),
        pltpu.VMEM((BPW,), jnp.float32),
        pltpu.SemaphoreType.DMA,
    ],
)(_sc_combine_body)


def kernel(sparse_inputs, p, q, user_bias, item_bias, beta_u, bias_u,
           beta_i, bias_i, user_weight, item_weight, user_hs, item_hs,
           u_avg, i_avg):
    uid_raw = sparse_inputs[:, 0]
    iid_raw = sparse_inputs[:, 1]
    alpha = (0.8 * user_bias
             + 0.2 * user_weight * (beta_u * user_hs[:, None] + bias_u)
             + u_avg[:, None])[:, 0]
    beta = (0.8 * item_bias
            + 0.2 * item_weight * (beta_i * item_hs[:, None] + bias_i)
            + i_avg[:, None])[:, 0]
    pf = _flatten_dmajor(p)
    qf = _flatten_dmajor(q)
    mf = _sc_mf_call(uid_raw, iid_raw, pf, qf)
    out = _sc_combine_call(uid_raw, iid_raw, alpha, beta, mf)
    return out.reshape(B, 1)

# --- scband reference (transcript-rebuilt; emitter-appended) ---
"""Pipeline reference for scband-my-model-86620900425730 (READ-ONLY COPY).

The authoritative reference and input builder live on the scoring server;
editing this copy changes nothing except your own understanding.
"""

import jax, jax.numpy as jnp
import numpy as np

USER_NUM = 1000000
ITEM_NUM = 1000000
LATENT_DIM = 16
BATCH = 16384


def setup_inputs(seed: int = 0) -> dict:
    key = jax.random.key(seed)
    ks = jax.random.split(key, 16)
    inp = {}
    # forward arg: sparse_inputs int32[B, 2] with raw 1-based-style ids in [0, vocab)
    inp["sparse_inputs"] = jax.random.randint(ks[0], (BATCH, 2), 0, USER_NUM, dtype=jnp.int32)
    # MF_layer params
    inp["p"] = jax.random.normal(ks[1], (USER_NUM, LATENT_DIM), dtype=jnp.float32) * 0.05
    inp["q"] = jax.random.normal(ks[2], (ITEM_NUM, LATENT_DIM), dtype=jnp.float32) * 0.05
    inp["user_bias"] = jax.random.normal(ks[3], (USER_NUM, 1), dtype=jnp.float32) * 0.05
    inp["item_bias"] = jax.random.normal(ks[4], (ITEM_NUM, 1), dtype=jnp.float32) * 0.05
    # LR_layer params
    inp["beta_u"] = jax.random.normal(ks[5], (USER_NUM, 1), dtype=jnp.float32) * 0.05
    inp["bias_u"] = jax.random.normal(ks[6], (USER_NUM, 1), dtype=jnp.float32) * 0.05
    inp["beta_i"] = jax.random.normal(ks[7], (ITEM_NUM, 1), dtype=jnp.float32) * 0.05
    inp["bias_i"] = jax.random.normal(ks[8], (ITEM_NUM, 1), dtype=jnp.float32) * 0.05
    inp["user_weight"] = jax.random.normal(ks[9], (USER_NUM, 1), dtype=jnp.float32) * 0.05
    inp["item_weight"] = jax.random.normal(ks[10], (ITEM_NUM, 1), dtype=jnp.float32) * 0.05
    # dense_feature constants: highest scores and average scores per user/item
    inp["user_hs"] = jax.random.uniform(ks[11], (USER_NUM,), dtype=jnp.float32) * 5.0
    inp["item_hs"] = jax.random.uniform(ks[12], (ITEM_NUM,), dtype=jnp.float32) * 5.0
    inp["u_avg"] = jax.random.uniform(ks[13], (USER_NUM,), dtype=jnp.float32) * 5.0
    inp["i_avg"] = jax.random.uniform(ks[14], (ITEM_NUM,), dtype=jnp.float32) * 5.0
    return inp


def _take(table, idx):
    # tf.nn.embedding_lookup equivalent; jnp.take clips out-of-range (ids-1 may hit -1)
    return jnp.take(table, idx, axis=0)


def reference(sparse_inputs, p, q, user_bias, item_bias, beta_u, bias_u, beta_i, bias_i, user_weight, item_weight, user_hs, item_hs, u_avg, i_avg):
    user_id = sparse_inputs[:, 0]
    item_id = sparse_inputs[:, 1]
    uid = user_id - 1
    iid = item_id - 1

    # ---- MF_layer (use_bias=True) ----
    latent_user = _take(p, uid)                      # (B, latent_dim)
    latent_item = _take(q, iid)                      # (B, latent_dim)
    mf = jnp.sum(latent_user * latent_item, axis=1, keepdims=True)  # (B, 1)
    mf_bias = jnp.reshape(_take(user_bias, uid) + _take(item_bias, iid), (-1, 1))
    mf_out = mf_bias + mf

    # ---- LR_layer ----
    Xu = _take(user_hs, uid).astype(jnp.float32)     # (B,)
    Yu = _take(beta_u, uid) * jnp.reshape(Xu, (-1, 1)) + _take(bias_u, uid)
    Xi = _take(item_hs, iid).astype(jnp.float32)     # (B,)
    Yi = _take(beta_i, iid) * jnp.reshape(Xi, (-1, 1)) + _take(bias_i, iid)
    a = _take(user_weight, uid)
    b = _take(item_weight, iid)
    lr_out = a * Yu + b * Yi                         # (B, 1)

    # ---- combine ----
    avg = jnp.reshape((_take(u_avg, uid) + _take(i_avg, iid)).astype(jnp.float32), (-1, 1))
    outputs = mf_out * 0.8 + lr_out * 0.2 + avg
    return outputs

if __name__ == "__main__":
    import jax
    _d = setup_inputs()
    print(jax.jit(kernel)(*tuple(_d.values())))

</pallas_src>

<mosaic_0001>
#map = affine_map<(d0, d1) -> (0)>
module attributes {stable_mosaic.version = 14 : i64} {
  func.func @_sc_combine_body(%arg0: i32, %arg1: i32, %arg2: memref<16384xi32, #tpu.memory_space<hbm>>, %arg3: memref<16384xi32, #tpu.memory_space<hbm>>, %arg4: memref<1000000xf32, #tpu.memory_space<hbm>>, %arg5: memref<1000000xf32, #tpu.memory_space<hbm>>, %arg6: memref<16384xf32, #tpu.memory_space<hbm>>, %arg7: memref<16384xf32, #tpu.memory_space<hbm>>, %arg8: memref<512xi32, #tpu.memory_space<vmem>>, %arg9: memref<512xi32, #tpu.memory_space<vmem>>, %arg10: memref<512xf32, #tpu.memory_space<vmem>>, %arg11: memref<512xf32, #tpu.memory_space<vmem>>, %arg12: memref<512xf32, #tpu.memory_space<vmem>>, %arg13: memref<512xf32, #tpu.memory_space<vmem>>, %arg14: memref<!tpu.dma_semaphore, #tpu.memory_space<semaphore_mem>>) attributes {dimension_semantics = [#tpu.dimension_semantics<core_parallel>, #tpu.dimension_semantics<subcore_parallel>], iteration_bounds = array<i64: 2, 16>, scalar_prefetch = 0 : i64, scratch_operands = 7 : i64, tpu.core_type = #tpu.core_type<sc_vector_subcore>, window_params = [{transform_indices = #map}, {transform_indices = #map}, {transform_indices = #map}, {transform_indices = #map}, {transform_indices = #map}, {transform_indices = #map}]} {
    %mul3A = arith.constant 2 : i32
    %mul3A_0 = arith.muli %arg1, %mul3A : i32
    %add3A = arith.addi %mul3A_0, %arg0 : i32
    %mul3A_1 = arith.constant 512 : i32
    %mul3A_2 = arith.muli %add3A, %mul3A_1 : i32
    "tpu.region"() ({
      %run_scoped3A = tpu.sem_alloc : memref<!tpu.dma_semaphore, #tpu.memory_space<semaphore_mem>>
      %dma_start3A_20 = tpu.memref_slice %arg2[%mul3A_2] : memref<16384xi32, #tpu.memory_space<hbm>> -> memref<512xi32, #tpu.memory_space<hbm>>
      %dma_start3A_21 = tpu.memref_slice %arg2[%mul3A_2] : memref<16384xi32, #tpu.memory_space<hbm>> -> memref<512xi32, #tpu.memory_space<hbm>>
      tpu.enqueue_dma source(%dma_start3A_21 : memref<512xi32, #tpu.memory_space<hbm>>) target(%arg8 : memref<512xi32, #tpu.memory_space<vmem>>) target_semaphore(%run_scoped3A : memref<!tpu.dma_semaphore, #tpu.memory_space<semaphore_mem>>)
      %dma_wait3A_22 = tpu.memref_slice %arg2[%mul3A_2] : memref<16384xi32, #tpu.memory_space<hbm>> -> memref<512xi32, #tpu.memory_space<hbm>>
      %dma_wait3A_23 = tpu.memref_slice %arg2[%mul3A_2] : memref<16384xi32, #tpu.memory_space<hbm>> -> memref<512xi32, #tpu.memory_space<hbm>>
      tpu.wait_dma2 semaphore(%run_scoped3A : memref<!tpu.dma_semaphore, #tpu.memory_space<semaphore_mem>>) src(%dma_wait3A_23 : memref<512xi32, #tpu.memory_space<hbm>>) dst(%arg8 : memref<512xi32, #tpu.memory_space<vmem>>)
      tpu.yield
    }) : () -> ()
    "tpu.region"() ({
      %run_scoped3A = tpu.sem_alloc : memref<!tpu.dma_semaphore, #tpu.memory_space<semaphore_mem>>
      %dma_start3A_20 = tpu.memref_slice %arg3[%mul3A_2] : memref<16384xi32, #tpu.memory_space<hbm>> -> memref<512xi32, #tpu.memory_space<hbm>>
      %dma_start3A_21 = tpu.memref_slice %arg3[%mul3A_2] : memref<16384xi32, #tpu.memory_space<hbm>> -> memref<512xi32, #tpu.memory_space<hbm>>
      tpu.enqueue_dma source(%dma_start3A_21 : memref<512xi32, #tpu.memory_space<hbm>>) target(%arg9 : memref<512xi32, #tpu.memory_space<vmem>>) target_semaphore(%run_scoped3A : memref<!tpu.dma_semaphore, #tpu.memory_space<semaphore_mem>>)
      %dma_wait3A_22 = tpu.memref_slice %arg3[%mul3A_2] : memref<16384xi32, #tpu.memory_space<hbm>> -> memref<512xi32, #tpu.memory_space<hbm>>
      %dma_wait3A_23 = tpu.memref_slice %arg3[%mul3A_2] : memref<16384xi32, #tpu.memory_space<hbm>> -> memref<512xi32, #tpu.memory_space<hbm>>
      tpu.wait_dma2 semaphore(%run_scoped3A : memref<!tpu.dma_semaphore, #tpu.memory_space<semaphore_mem>>) src(%dma_wait3A_23 : memref<512xi32, #tpu.memory_space<hbm>>) dst(%arg9 : memref<512xi32, #tpu.memory_space<vmem>>)
      tpu.yield
    }) : () -> ()
    "tpu.region"() ({
      %run_scoped3A = tpu.sem_alloc : memref<!tpu.dma_semaphore, #tpu.memory_space<semaphore_mem>>
      %dma_start3A_20 = tpu.memref_slice %arg6[%mul3A_2] : memref<16384xf32, #tpu.memory_space<hbm>> -> memref<512xf32, #tpu.memory_space<hbm>>
      %dma_start3A_21 = tpu.memref_slice %arg6[%mul3A_2] : memref<16384xf32, #tpu.memory_space<hbm>> -> memref<512xf32, #tpu.memory_space<hbm>>
      tpu.enqueue_dma source(%dma_start3A_21 : memref<512xf32, #tpu.memory_space<hbm>>) target(%arg12 : memref<512xf32, #tpu.memory_space<vmem>>) target_semaphore(%run_scoped3A : memref<!tpu.dma_semaphore, #tpu.memory_space<semaphore_mem>>)
      %dma_wait3A_22 = tpu.memref_slice %arg6[%mul3A_2] : memref<16384xf32, #tpu.memory_space<hbm>> -> memref<512xf32, #tpu.memory_space<hbm>>
      %dma_wait3A_23 = tpu.memref_slice %arg6[%mul3A_2] : memref<16384xf32, #tpu.memory_space<hbm>> -> memref<512xf32, #tpu.memory_space<hbm>>
      tpu.wait_dma2 semaphore(%run_scoped3A : memref<!tpu.dma_semaphore, #tpu.memory_space<semaphore_mem>>) src(%dma_wait3A_23 : memref<512xf32, #tpu.memory_space<hbm>>) dst(%arg12 : memref<512xf32, #tpu.memory_space<vmem>>)
      tpu.yield
    }) : () -> ()
    %scan3A = arith.constant 0 : i32
    %scan3A_3 = arith.constant 0 : i32
    %scan3A_4 = arith.constant 32 : i32
    %scan3A_5 = arith.addi %scan3A_3, %scan3A_4 : i32
    %scan3A_6 = arith.constant 1 : i32
    scf.for %scan3A_20 = %scan3A_3 to %scan3A_5 step %scan3A_6  : i32 {
      %mul3A_21 = arith.constant 16 : i32
      %mul3A_22 = arith.muli %scan3A_20, %mul3A_21 : i32
      %get3A = arith.index_cast %mul3A_22 : i32 to index
      %get3A_23 = tpu.vector_load %arg8[%get3A] {strides = array<i32>} : memref<512xi32, #tpu.memory_space<vmem>>, vector<16xi32>,
      %get3A_24 = vector.shape_cast %get3A_23 : vector<16xi32> to vector<16xi32>
      %sub3A = arith.constant 1 : i32
      %sub3A_25 = vector.broadcast %sub3A : i32 to vector<16xi32>
      %sub3A_26 = arith.subi %get3A_24, %sub3A_25 : vector<16xi32>
      %lt3A = arith.constant 0 : i32
      %lt3A_27 = vector.broadcast %lt3A : i32 to vector<16xi32>
      %lt3A_28 = arith.cmpi slt, %sub3A_26, %lt3A_27 : vector<16xi32>
      %add3A_29 = arith.constant 1000000 : i32
      %add3A_30 = vector.broadcast %add3A_29 : i32 to vector<16xi32>
      %add3A_31 = arith.addi %sub3A_26, %add3A_30 : vector<16xi32>
      %select_n3A = arith.select %lt3A_28, %add3A_31, %sub3A_26 : vector<16xi1>, vector<16xi32>
      %swap3A = arith.index_cast %mul3A_22 : i32 to index
      %swap3A_32 = tpu.vector_load %arg8[%swap3A] {strides = array<i32>} : memref<512xi32, #tpu.memory_space<vmem>>, vector<16xi32>,
      %swap3A_33 = vector.shape_cast %swap3A_32 : vector<16xi32> to vector<16xi32>
      %swap3A_34 = vector.shape_cast %select_n3A : vector<16xi32> to vector<16xi32>
      tpu.vector_store %arg8[%swap3A], %swap3A_34 {strides = array<i32>} : memref<512xi32, #tpu.memory_space<vmem>>, vector<16xi32>,
      %get3A_35 = arith.index_cast %mul3A_22 : i32 to index
      %get3A_36 = tpu.vector_load %arg9[%get3A_35] {strides = array<i32>} : memref<512xi32, #tpu.memory_space<vmem>>, vector<16xi32>,
      %get3A_37 = vector.shape_cast %get3A_36 : vector<16xi32> to vector<16xi32>
      %sub3A_38 = arith.constant 1 : i32
      %sub3A_39 = vector.broadcast %sub3A_38 : i32 to vector<16xi32>
      %sub3A_40 = arith.subi %get3A_37, %sub3A_39 : vector<16xi32>
      %lt3A_41 = arith.constant 0 : i32
      %lt3A_42 = vector.broadcast %lt3A_41 : i32 to vector<16xi32>
      %lt3A_43 = arith.cmpi slt, %sub3A_40, %lt3A_42 : vector<16xi32>
      %add3A_44 = arith.constant 1000000 : i32
      %add3A_45 = vector.broadcast %add3A_44 : i32 to vector<16xi32>
      %add3A_46 = arith.addi %sub3A_40, %add3A_45 : vector<16xi32>
      %select_n3A_47 = arith.select %lt3A_43, %add3A_46, %sub3A_40 : vector<16xi1>, vector<16xi32>
      %swap3A_48 = arith.index_cast %mul3A_22 : i32 to index
      %swap3A_49 = tpu.vector_load %arg9[%swap3A_48] {strides = array<i32>} : memref<512xi32, #tpu.memory_space<vmem>>, vector<16xi32>,
      %swap3A_50 = vector.shape_cast %swap3A_49 : vector<16xi32> to vector<16xi32>
      %swap3A_51 = vector.shape_cast %select_n3A_47 : vector<16xi32> to vector<16xi32>
      tpu.vector_store %arg9[%swap3A_48], %swap3A_51 {strides = array<i32>} : memref<512xi32, #tpu.memory_space<vmem>>, vector<16xi32>,
    }
    %scan3A_7 = arith.constant 32 : i32
    %dma_start3A = arith.constant 0 : i32
    %dma_start3A_8 = tpu.memref_slice %arg4[%dma_start3A] : memref<1000000xf32, #tpu.memory_space<hbm>> -> memref<1000000xf32, #tpu.memory_space<hbm>>
    tpu.enqueue_indirect_dma source(%dma_start3A_8 : memref<1000000xf32, #tpu.memory_space<hbm>>) target(%arg10 : memref<512xf32, #tpu.memory_space<vmem>>) offsets(%arg8 : memref<512xi32, #tpu.memory_space<vmem>>) semaphore(%arg14 : memref<!tpu.dma_semaphore, #tpu.memory_space<semaphore_mem>>)
    %dma_start3A_9 = arith.constant 0 : i32
    %dma_start3A_10 = tpu.memref_slice %arg5[%dma_start3A_9] : memref<1000000xf32, #tpu.memory_space<hbm>> -> memref<1000000xf32, #tpu.memory_space<hbm>>
    tpu.enqueue_indirect_dma source(%dma_start3A_10 : memref<1000000xf32, #tpu.memory_space<hbm>>) target(%arg11 : memref<512xf32, #tpu.memory_space<vmem>>) offsets(%arg9 : memref<512xi32, #tpu.memory_space<vmem>>) semaphore(%arg14 : memref<!tpu.dma_semaphore, #tpu.memory_space<semaphore_mem>>)
    %dma_wait3A = arith.constant 0 : i32
    %dma_wait3A_11 = tpu.memref_slice %arg4[%dma_wait3A] : memref<1000000xf32, #tpu.memory_space<hbm>> -> memref<1000000xf32, #tpu.memory_space<hbm>>
    tpu.wait_indirect_dma semaphore(%arg14 : memref<!tpu.dma_semaphore, #tpu.memory_space<semaphore_mem>>) src(%dma_wait3A_11 : memref<1000000xf32, #tpu.memory_space<hbm>>) dst(%arg10 : memref<512xf32, #tpu.memory_space<vmem>>)
    %dma_wait3A_12 = arith.constant 0 : i32
    %dma_wait3A_13 = tpu.memref_slice %arg5[%dma_wait3A_12] : memref<1000000xf32, #tpu.memory_space<hbm>> -> memref<1000000xf32, #tpu.memory_space<hbm>>
    tpu.wait_indirect_dma semaphore(%arg14 : memref<!tpu.dma_semaphore, #tpu.memory_space<semaphore_mem>>) src(%dma_wait3A_13 : memref<1000000xf32, #tpu.memory_space<hbm>>) dst(%arg11 : memref<512xf32, #tpu.memory_space<vmem>>)
    %scan3A_14 = arith.constant 0 : i32
    %scan3A_15 = arith.constant 0 : i32
    %scan3A_16 = arith.constant 32 : i32
    %scan3A_17 = arith.addi %scan3A_15, %scan3A_16 : i32
    %scan3A_18 = arith.constant 1 : i32
    scf.for %scan3A_20 = %scan3A_15 to %scan3A_17 step %scan3A_18  : i32 {
      %mul3A_21 = arith.constant 16 : i32
      %mul3A_22 = arith.muli %scan3A_20, %mul3A_21 : i32
      %get3A = arith.index_cast %mul3A_22 : i32 to index
      %get3A_23 = tpu.vector_load %arg12[%get3A] {strides = array<i32>} : memref<512xf32, #tpu.memory_space<vmem>>, vector<16xf32>,
      %get3A_24 = vector.shape_cast %get3A_23 : vector<16xf32> to vector<16xf32>
      %get3A_25 = arith.index_cast %mul3A_22 : i32 to index
      %get3A_26 = tpu.vector_load %arg10[%get3A_25] {strides = array<i32>} : memref<512xf32, #tpu.memory_space<vmem>>, vector<16xf32>,
      %get3A_27 = vector.shape_cast %get3A_26 : vector<16xf32> to vector<16xf32>
      %add3A_28 = arith.addf %get3A_24, %get3A_27 : vector<16xf32>
      %get3A_29 = arith.index_cast %mul3A_22 : i32 to index
      %get3A_30 = tpu.vector_load %arg11[%get3A_29] {strides = array<i32>} : memref<512xf32, #tpu.memory_space<vmem>>, vector<16xf32>,
      %get3A_31 = vector.shape_cast %get3A_30 : vector<16xf32> to vector<16xf32>
      %add3A_32 = arith.addf %add3A_28, %get3A_31 : vector<16xf32>
      %swap3A = arith.index_cast %mul3A_22 : i32 to index
      %swap3A_33 = tpu.vector_load %arg13[%swap3A] {strides = array<i32>} : memref<512xf32, #tpu.memory_space<vmem>>, vector<16xf32>,
      %swap3A_34 = vector.shape_cast %swap3A_33 : vector<16xf32> to vector<16xf32>
      %swap3A_35 = vector.shape_cast %add3A_32 : vector<16xf32> to vector<16xf32>
      tpu.vector_store %arg13[%swap3A], %swap3A_35 {strides = array<i32>} : memref<512xf32, #tpu.memory_space<vmem>>, vector<16xf32>,
    }
    %scan3A_19 = arith.constant 32 : i32
    "tpu.region"() ({
      %run_scoped3A = tpu.sem_alloc : memref<!tpu.dma_semaphore, #tpu.memory_space<semaphore_mem>>
      %dma_start3A_20 = tpu.memref_slice %arg7[%mul3A_2] : memref<16384xf32, #tpu.memory_space<hbm>> -> memref<512xf32, #tpu.memory_space<hbm>>
      %dma_start3A_21 = tpu.memref_slice %arg7[%mul3A_2] : memref<16384xf32, #tpu.memory_space<hbm>> -> memref<512xf32, #tpu.memory_space<hbm>>
      tpu.enqueue_dma source(%arg13 : memref<512xf32, #tpu.memory_space<vmem>>) target(%dma_start3A_21 : memref<512xf32, #tpu.memory_space<hbm>>) target_semaphore(%run_scoped3A : memref<!tpu.dma_semaphore, #tpu.memory_space<semaphore_mem>>)
      %dma_wait3A_22 = tpu.memref_slice %arg7[%mul3A_2] : memref<16384xf32, #tpu.memory_space<hbm>> -> memref<512xf32, #tpu.memory_space<hbm>>
      %dma_wait3A_23 = tpu.memref_slice %arg7[%mul3A_2] : memref<16384xf32, #tpu.memory_space<hbm>> -> memref<512xf32, #tpu.memory_space<hbm>>
      tpu.wait_dma2 semaphore(%run_scoped3A : memref<!tpu.dma_semaphore, #tpu.memory_space<semaphore_mem>>) src(%arg13 : memref<512xf32, #tpu.memory_space<vmem>>) dst(%dma_wait3A_23 : memref<512xf32, #tpu.memory_space<hbm>>)
      tpu.yield
    }) : () -> ()
    return
  }
}

#map = affine_map<(d0, d1) -> (0)>
module attributes {stable_mosaic.version = 14 : i64} {
  func.func @_sc_mf_body(%arg0: i32, %arg1: i32, %arg2: memref<16384xi32, #tpu.memory_space<hbm>>, %arg3: memref<16384xi32, #tpu.memory_space<hbm>>, %arg4: memref<16777216xf32, #tpu.memory_space<hbm>>, %arg5: memref<16777216xf32, #tpu.memory_space<hbm>>, %arg6: memref<16384xf32, #tpu.memory_space<hbm>>, %arg7: memref<512xi32, #tpu.memory_space<vmem>>, %arg8: memref<512xi32, #tpu.memory_space<vmem>>, %arg9: memref<8192xi32, #tpu.memory_space<vmem>>, %arg10: memref<8192xi32, #tpu.memory_space<vmem>>, %arg11: memref<8192xf32, #tpu.memory_space<vmem>>, %arg12: memref<8192xf32, #tpu.memory_space<vmem>>, %arg13: memref<512xf32, #tpu.memory_space<vmem>>, %arg14: memref<!tpu.dma_semaphore, #tpu.memory_space<semaphore_mem>>) attributes {dimension_semantics = [#tpu.dimension_semantics<core_parallel>, #tpu.dimension_semantics<subcore_parallel>], iteration_bounds = array<i64: 2, 16>, scalar_prefetch = 0 : i64, scratch_operands = 8 : i64, tpu.core_type = #tpu.core_type<sc_vector_subcore>, window_params = [{transform_indices = #map}, {transform_indices = #map}, {transform_indices = #map}, {transform_indices = #map}, {transform_indices = #map}]} {
    %mul3A = arith.constant 2 : i32
    %mul3A_0 = arith.muli %arg1, %mul3A : i32
    %add3A = arith.addi %mul3A_0, %arg0 : i32
    %mul3A_1 = arith.constant 512 : i32
    %mul3A_2 = arith.muli %add3A, %mul3A_1 : i32
    "tpu.region"() ({
      %run_scoped3A = tpu.sem_alloc : memref<!tpu.dma_semaphore, #tpu.memory_space<semaphore_mem>>
      %dma_start3A_20 = tpu.memref_slice %arg2[%mul3A_2] : memref<16384xi32, #tpu.memory_space<hbm>> -> memref<512xi32, #tpu.memory_space<hbm>>
      %dma_start3A_21 = tpu.memref_slice %arg2[%mul3A_2] : memref<16384xi32, #tpu.memory_space<hbm>> -> memref<512xi32, #tpu.memory_space<hbm>>
      tpu.enqueue_dma source(%dma_start3A_21 : memref<512xi32, #tpu.memory_space<hbm>>) target(%arg7 : memref<512xi32, #tpu.memory_space<vmem>>) target_semaphore(%run_scoped3A : memref<!tpu.dma_semaphore, #tpu.memory_space<semaphore_mem>>)
      %dma_wait3A_22 = tpu.memref_slice %arg2[%mul3A_2] : memref<16384xi32, #tpu.memory_space<hbm>> -> memref<512xi32, #tpu.memory_space<hbm>>
      %dma_wait3A_23 = tpu.memref_slice %arg2[%mul3A_2] : memref<16384xi32, #tpu.memory_space<hbm>> -> memref<512xi32, #tpu.memory_space<hbm>>
      tpu.wait_dma2 semaphore(%run_scoped3A : memref<!tpu.dma_semaphore, #tpu.memory_space<semaphore_mem>>) src(%dma_wait3A_23 : memref<512xi32, #tpu.memory_space<hbm>>) dst(%arg7 : memref<512xi32, #tpu.memory_space<vmem>>)
      tpu.yield
    }) : () -> ()
    "tpu.region"() ({
      %run_scoped3A = tpu.sem_alloc : memref<!tpu.dma_semaphore, #tpu.memory_space<semaphore_mem>>
      %dma_start3A_20 = tpu.memref_slice %arg3[%mul3A_2] : memref<16384xi32, #tpu.memory_space<hbm>> -> memref<512xi32, #tpu.memory_space<hbm>>
      %dma_start3A_21 = tpu.memref_slice %arg3[%mul3A_2] : memref<16384xi32, #tpu.memory_space<hbm>> -> memref<512xi32, #tpu.memory_space<hbm>>
      tpu.enqueue_dma source(%dma_start3A_21 : memref<512xi32, #tpu.memory_space<hbm>>) target(%arg8 : memref<512xi32, #tpu.memory_space<vmem>>) target_semaphore(%run_scoped3A : memref<!tpu.dma_semaphore, #tpu.memory_space<semaphore_mem>>)
      %dma_wait3A_22 = tpu.memref_slice %arg3[%mul3A_2] : memref<16384xi32, #tpu.memory_space<hbm>> -> memref<512xi32, #tpu.memory_space<hbm>>
      %dma_wait3A_23 = tpu.memref_slice %arg3[%mul3A_2] : memref<16384xi32, #tpu.memory_space<hbm>> -> memref<512xi32, #tpu.memory_space<hbm>>
      tpu.wait_dma2 semaphore(%run_scoped3A : memref<!tpu.dma_semaphore, #tpu.memory_space<semaphore_mem>>) src(%dma_wait3A_23 : memref<512xi32, #tpu.memory_space<hbm>>) dst(%arg8 : memref<512xi32, #tpu.memory_space<vmem>>)
      tpu.yield
    }) : () -> ()
    %scan3A = arith.constant 0 : i32
    %scan3A_3 = arith.constant 0 : i32
    %scan3A_4 = arith.constant 32 : i32
    %scan3A_5 = arith.addi %scan3A_3, %scan3A_4 : i32
    %scan3A_6 = arith.constant 1 : i32
    scf.for %scan3A_20 = %scan3A_3 to %scan3A_5 step %scan3A_6  : i32 {
      %mul3A_21 = arith.constant 16 : i32
      %mul3A_22 = arith.muli %scan3A_20, %mul3A_21 : i32
      %get3A = arith.index_cast %mul3A_22 : i32 to index
      %get3A_23 = tpu.vector_load %arg7[%get3A] {strides = array<i32>} : memref<512xi32, #tpu.memory_space<vmem>>, vector<16xi32>,
      %get3A_24 = vector.shape_cast %get3A_23 : vector<16xi32> to vector<16xi32>
      %sub3A = arith.constant 1 : i32
      %sub3A_25 = vector.broadcast %sub3A : i32 to vector<16xi32>
      %sub3A_26 = arith.subi %get3A_24, %sub3A_25 : vector<16xi32>
      %lt3A = arith.constant 0 : i32
      %lt3A_27 = vector.broadcast %lt3A : i32 to vector<16xi32>
      %lt3A_28 = arith.cmpi slt, %sub3A_26, %lt3A_27 : vector<16xi32>
      %add3A_29 = arith.constant 1000000 : i32
      %add3A_30 = vector.broadcast %add3A_29 : i32 to vector<16xi32>
      %add3A_31 = arith.addi %sub3A_26, %add3A_30 : vector<16xi32>
      %select_n3A = arith.select %lt3A_28, %add3A_31, %sub3A_26 : vector<16xi1>, vector<16xi32>
      %get3A_32 = arith.index_cast %mul3A_22 : i32 to index
      %get3A_33 = tpu.vector_load %arg8[%get3A_32] {strides = array<i32>} : memref<512xi32, #tpu.memory_space<vmem>>, vector<16xi32>,
      %get3A_34 = vector.shape_cast %get3A_33 : vector<16xi32> to vector<16xi32>
      %sub3A_35 = arith.constant 1 : i32
      %sub3A_36 = vector.broadcast %sub3A_35 : i32 to vector<16xi32>
      %sub3A_37 = arith.subi %get3A_34, %sub3A_36 : vector<16xi32>
      %lt3A_38 = arith.constant 0 : i32
      %lt3A_39 = vector.broadcast %lt3A_38 : i32 to vector<16xi32>
      %lt3A_40 = arith.cmpi slt, %sub3A_37, %lt3A_39 : vector<16xi32>
      %add3A_41 = arith.constant 1000000 : i32
      %add3A_42 = vector.broadcast %add3A_41 : i32 to vector<16xi32>
      %add3A_43 = arith.addi %sub3A_37, %add3A_42 : vector<16xi32>
      %select_n3A_44 = arith.select %lt3A_40, %add3A_43, %sub3A_37 : vector<16xi1>, vector<16xi32>
      %shift_right_arithmetic3A = arith.constant 16 : i32
      %shift_right_arithmetic3A_45 = vector.broadcast %shift_right_arithmetic3A : i32 to vector<16xi32>
      %shift_right_arithmetic3A_46 = arith.shrsi %select_n3A, %shift_right_arithmetic3A_45 : vector<16xi32>
      %shift_left3A = arith.constant 20 : i32
      %shift_left3A_47 = vector.broadcast %shift_left3A : i32 to vector<16xi32>
      %shift_left3A_48 = arith.shli %shift_right_arithmetic3A_46, %shift_left3A_47 : vector<16xi32>
      %and3A = arith.constant 65535 : i32
      %and3A_49 = vector.broadcast %and3A : i32 to vector<16xi32>
      %and3A_50 = arith.andi %select_n3A, %and3A_49 : vector<16xi32>
      %add3A_51 = arith.addi %shift_left3A_48, %and3A_50 : vector<16xi32>
      %shift_right_arithmetic3A_52 = arith.constant 16 : i32
      %shift_right_arithmetic3A_53 = vector.broadcast %shift_right_arithmetic3A_52 : i32 to vector<16xi32>
      %shift_right_arithmetic3A_54 = arith.shrsi %select_n3A_44, %shift_right_arithmetic3A_53 : vector<16xi32>
      %shift_left3A_55 = arith.constant 20 : i32
      %shift_left3A_56 = vector.broadcast %shift_left3A_55 : i32 to vector<16xi32>
      %shift_left3A_57 = arith.shli %shift_right_arithmetic3A_54, %shift_left3A_56 : vector<16xi32>
      %and3A_58 = arith.constant 65535 : i32
      %and3A_59 = vector.broadcast %and3A_58 : i32 to vector<16xi32>
      %and3A_60 = arith.andi %select_n3A_44, %and3A_59 : vector<16xi32>
      %add3A_61 = arith.addi %shift_left3A_57, %and3A_60 : vector<16xi32>
      %add3A_62 = arith.constant 0 : i32
      %add3A_63 = vector.broadcast %add3A_62 : i32 to vector<16xi32>
      %add3A_64 = arith.addi %add3A_51, %add3A_63 : vector<16xi32>
      %add3A_65 = arith.constant 0 : i32
      %add3A_66 = arith.addi %add3A_65, %mul3A_22 : i32
      %swap3A = arith.index_cast %add3A_66 : i32 to index
      %swap3A_67 = tpu.vector_load %arg9[%swap3A] {strides = array<i32>} : memref<8192xi32, #tpu.memory_space<vmem>>, vector<16xi32>,
      %swap3A_68 = vector.shape_cast %swap3A_67 : vector<16xi32> to vector<16xi32>
      %swap3A_69 = vector.shape_cast %add3A_64 : vector<16xi32> to vector<16xi32>
      tpu.vector_store %arg9[%swap3A], %swap3A_69 {strides = array<i32>} : memref<8192xi32, #tpu.memory_space<vmem>>, vector<16xi32>,
      %add3A_70 = arith.constant 0 : i32
      %add3A_71 = vector.broadcast %add3A_70 : i32 to vector<16xi32>
      %add3A_72 = arith.addi %add3A_61, %add3A_71 : vector<16xi32>
      %add3A_73 = arith.constant 0 : i32
      %add3A_74 = arith.addi %add3A_73, %mul3A_22 : i32
      %swap3A_75 = arith.index_cast %add3A_74 : i32 to index
      %swap3A_76 = tpu.vector_load %arg10[%swap3A_75] {strides = array<i32>} : memref<8192xi32, #tpu.memory_space<vmem>>, vector<16xi32>,
      %swap3A_77 = vector.shape_cast %swap3A_76 : vector<16xi32> to vector<16xi32>
      %swap3A_78 = vector.shape_cast %add3A_72 : vector<16xi32> to vector<16xi32>
      tpu.vector_store %arg10[%swap3A_75], %swap3A_78 {strides = array<i32>} : memref<8192xi32, #tpu.memory_space<vmem>>, vector<16xi32>,
      %add3A_79 = arith.constant 65536 : i32
      %add3A_80 = vector.broadcast %add3A_79 : i32 to vector<16xi32>
      %add3A_81 = arith.addi %add3A_51, %add3A_80 : vector<16xi32>
      %add3A_82 = arith.constant 512 : i32
      %add3A_83 = arith.addi %add3A_82, %mul3A_22 : i32
      %swap3A_84 = arith.index_cast %add3A_83 : i32 to index
      %swap3A_85 = tpu.vector_load %arg9[%swap3A_84] {strides = array<i32>} : memref<8192xi32, #tpu.memory_space<vmem>>, vector<16xi32>,
      %swap3A_86 = vector.shape_cast %swap3A_85 : vector<16xi32> to vector<16xi32>
      %swap3A_87 = vector.shape_cast %add3A_81 : vector<16xi32> to vector<16xi32>
      tpu.vector_store %arg9[%swap3A_84], %swap3A_87 {strides = array<i32>} : memref<8192xi32, #tpu.memory_space<vmem>>, vector<16xi32>,
      %add3A_88 = arith.constant 65536 : i32
      %add3A_89 = vector.broadcast %add3A_88 : i32 to vector<16xi32>
      %add3A_90 = arith.addi %add3A_61, %add3A_89 : vector<16xi32>
      %add3A_91 = arith.constant 512 : i32
      %add3A_92 = arith.addi %add3A_91, %mul3A_22 : i32
      %swap3A_93 = arith.index_cast %add3A_92 : i32 to index
      %swap3A_94 = tpu.vector_load %arg10[%swap3A_93] {strides = array<i32>} : memref<8192xi32, #tpu.memory_space<vmem>>, vector<16xi32>,
      %swap3A_95 = vector.shape_cast %swap3A_94 : vector<16xi32> to vector<16xi32>
      %swap3A_96 = vector.shape_cast %add3A_90 : vector<16xi32> to vector<16xi32>
      tpu.vector_store %arg10[%swap3A_93], %swap3A_96 {strides = array<i32>} : memref<8192xi32, #tpu.memory_space<vmem>>, vector<16xi32>,
      %add3A_97 = arith.constant 131072 : i32
      %add3A_98 = vector.broadcast %add3A_97 : i32 to vector<16xi32>
      %add3A_99 = arith.addi %add3A_51, %add3A_98 : vector<16xi32>
      %add3A_100 = arith.constant 1024 : i32
      %add3A_101 = arith.addi %add3A_100, %mul3A_22 : i32
      %swap3A_102 = arith.index_cast %add3A_101 : i32 to index
      %swap3A_103 = tpu.vector_load %arg9[%swap3A_102] {strides = array<i32>} : memref<8192xi32, #tpu.memory_space<vmem>>, vector<16xi32>,
      %swap3A_104 = vector.shape_cast %swap3A_103 : vector<16xi32> to vector<16xi32>
      %swap3A_105 = vector.shape_cast %add3A_99 : vector<16xi32> to vector<16xi32>
      tpu.vector_store %arg9[%swap3A_102], %swap3A_105 {strides = array<i32>} : memref<8192xi32, #tpu.memory_space<vmem>>, vector<16xi32>,
      %add3A_106 = arith.constant 131072 : i32
      %add3A_107 = vector.broadcast %add3A_106 : i32 to vector<16xi32>
      %add3A_108 = arith.addi %add3A_61, %add3A_107 : vector<16xi32>
      %add3A_109 = arith.constant 1024 : i32
      %add3A_110 = arith.addi %add3A_109, %mul3A_22 : i32
      %swap3A_111 = arith.index_cast %add3A_110 : i32 to index
      %swap3A_112 = tpu.vector_load %arg10[%swap3A_111] {strides = array<i32>} : memref<8192xi32, #tpu.memory_space<vmem>>, vector<16xi32>,
      %swap3A_113 = vector.shape_cast %swap3A_112 : vector<16xi32> to vector<16xi32>
      %swap3A_114 = vector.shape_cast %add3A_108 : vector<16xi32> to vector<16xi32>
      tpu.vector_store %arg10[%swap3A_111], %swap3A_114 {strides = array<i32>} : memref<8192xi32, #tpu.memory_space<vmem>>, vector<16xi32>,
      %add3A_115 = arith.constant 196608 : i32
      %add3A_116 = vector.broadcast %add3A_115 : i32 to vector<16xi32>
      %add3A_117 = arith.addi %add3A_51, %add3A_116 : vector<16xi32>
      %add3A_118 = arith.constant 1536 : i32
      %add3A_119 = arith.addi %add3A_118, %mul3A_22 : i32
      %swap3A_120 = arith.index_cast %add3A_119 : i32 to index
      %swap3A_121 = tpu.vector_load %arg9[%swap3A_120] {strides = array<i32>} : memref<8192xi32, #tpu.memory_space<vmem>>, vector<16xi32>,
      %swap3A_122 = vector.shape_cast %swap3A_121 : vector<16xi32> to vector<16xi32>
      %swap3A_123 = vector.shape_cast %add3A_117 : vector<16xi32> to vector<16xi32>
      tpu.vector_store %arg9[%swap3A_120], %swap3A_123 {strides = array<i32>} : memref<8192xi32, #tpu.memory_space<vmem>>, vector<16xi32>,
      %add3A_124 = arith.constant 196608 : i32
      %add3A_125 = vector.broadcast %add3A_124 : i32 to vector<16xi32>
      %add3A_126 = arith.addi %add3A_61, %add3A_125 : vector<16xi32>
      %add3A_127 = arith.constant 1536 : i32
      %add3A_128 = arith.addi %add3A_127, %mul3A_22 : i32
      %swap3A_129 = arith.index_cast %add3A_128 : i32 to index
      %swap3A_130 = tpu.vector_load %arg10[%swap3A_129] {strides = array<i32>} : memref<8192xi32, #tpu.memory_space<vmem>>, vector<16xi32>,
      %swap3A_131 = vector.shape_cast %swap3A_130 : vector<16xi32> to vector<16xi32>
      %swap3A_132 = vector.shape_cast %add3A_126 : vector<16xi32> to vector<16xi32>
      tpu.vector_store %arg10[%swap3A_129], %swap3A_132 {strides = array<i32>} : memref<8192xi32, #tpu.memory_space<vmem>>, vector<16xi32>,
      %add3A_133 = arith.constant 262144 : i32
      %add3A_134 = vector.broadcast %add3A_133 : i32 to vector<16xi32>
      %add3A_135 = arith.addi %add3A_51, %add3A_134 : vector<16xi32>
      %add3A_136 = arith.constant 2048 : i32
      %add3A_137 = arith.addi %add3A_136, %mul3A_22 : i32
      %swap3A_138 = arith.index_cast %add3A_137 : i32 to index
      %swap3A_139 = tpu.vector_load %arg9[%swap3A_138] {strides = array<i32>} : memref<8192xi32, #tpu.memory_space<vmem>>, vector<16xi32>,
      %swap3A_140 = vector.shape_cast %swap3A_139 : vector<16xi32> to vector<16xi32>
      %swap3A_141 = vector.shape_cast %add3A_135 : vector<16xi32> to vector<16xi32>
      tpu.vector_store %arg9[%swap3A_138], %swap3A_141 {strides = array<i32>} : memref<8192xi32, #tpu.memory_space<vmem>>, vector<16xi32>,
      %add3A_142 = arith.constant 262144 : i32
      %add3A_143 = vector.broadcast %add3A_142 : i32 to vector<16xi32>
      %add3A_144 = arith.addi %add3A_61, %add3A_143 : vector<16xi32>
      %add3A_145 = arith.constant 2048 : i32
      %add3A_146 = arith.addi %add3A_145, %mul3A_22 : i32
      %swap3A_147 = arith.index_cast %add3A_146 : i32 to index
      %swap3A_148 = tpu.vector_load %arg10[%swap3A_147] {strides = array<i32>} : memref<8192xi32, #tpu.memory_space<vmem>>, vector<16xi32>,
      %swap3A_149 = vector.shape_cast %swap3A_148 : vector<16xi32> to vector<16xi32>
      %swap3A_150 = vector.shape_cast %add3A_144 : vector<16xi32> to vector<16xi32>
      tpu.vector_store %arg10[%swap3A_147], %swap3A_150 {strides = array<i32>} : memref<8192xi32, #tpu.memory_space<vmem>>, vector<16xi32>,
      %add3A_151 = arith.constant 327680 : i32
      %add3A_152 = vector.broadcast %add3A_151 : i32 to vector<16xi32>
      %add3A_153 = arith.addi %add3A_51, %add3A_152 : vector<16xi32>
      %add3A_154 = arith.constant 2560 : i32
      %add3A_155 = arith.addi %add3A_154, %mul3A_22 : i32
      %swap3A_156 = arith.index_cast %add3A_155 : i32 to index
      %swap3A_157 = tpu.vector_load %arg9[%swap3A_156] {strides = array<i32>} : memref<8192xi32, #tpu.memory_space<vmem>>, vector<16xi32>,
      %swap3A_158 = vector.shape_cast %swap3A_157 : vector<16xi32> to vector<16xi32>
      %swap3A_159 = vector.shape_cast %add3A_153 : vector<16xi32> to vector<16xi32>
      tpu.vector_store %arg9[%swap3A_156], %swap3A_159 {strides = array<i32>} : memref<8192xi32, #tpu.memory_space<vmem>>, vector<16xi32>,
      %add3A_160 = arith.constant 327680 : i32
      %add3A_161 = vector.broadcast %add3A_160 : i32 to vector<16xi32>
      %add3A_162 = arith.addi %add3A_61, %add3A_161 : vector<16xi32>
      %add3A_163 = arith.constant 2560 : i32
      %add3A_164 = arith.addi %add3A_163, %mul3A_22 : i32
      %swap3A_165 = arith.index_cast %add3A_164 : i32 to index
      %swap3A_166 = tpu.vector_load %arg10[%swap3A_165] {strides = array<i32>} : memref<8192xi32, #tpu.memory_space<vmem>>, vector<16xi32>,
      %swap3A_167 = vector.shape_cast %swap3A_166 : vector<16xi32> to vector<16xi32>
      %swap3A_168 = vector.shape_cast %add3A_162 : vector<16xi32> to vector<16xi32>
      tpu.vector_store %arg10[%swap3A_165], %swap3A_168 {strides = array<i32>} : memref<8192xi32, #tpu.memory_space<vmem>>, vector<16xi32>,
      %add3A_169 = arith.constant 393216 : i32
      %add3A_170 = vector.broadcast %add3A_169 : i32 to vector<16xi32>
      %add3A_171 = arith.addi %add3A_51, %add3A_170 : vector<16xi32>
      %add3A_172 = arith.constant 3072 : i32
      %add3A_173 = arith.addi %add3A_172, %mul3A_22 : i32
      %swap3A_174 = arith.index_cast %add3A_173 : i32 to index
      %swap3A_175 = tpu.vector_load %arg9[%swap3A_174] {strides = array<i32>} : memref<8192xi32, #tpu.memory_space<vmem>>, vector<16xi32>,
      %swap3A_176 = vector.shape_cast %swap3A_175 : vector<16xi32> to vector<16xi32>
      %swap3A_177 = vector.shape_cast %add3A_171 : vector<16xi32> to vector<16xi32>
      tpu.vector_store %arg9[%swap3A_174], %swap3A_177 {strides = array<i32>} : memref<8192xi32, #tpu.memory_space<vmem>>, vector<16xi32>,
      %add3A_178 = arith.constant 393216 : i32
      %add3A_179 = vector.broadcast %add3A_178 : i32 to vector<16xi32>
      %add3A_180 = arith.addi %add3A_61, %add3A_179 : vector<16xi32>
      %add3A_181 = arith.constant 3072 : i32
      %add3A_182 = arith.addi %add3A_181, %mul3A_22 : i32
      %swap3A_183 = arith.index_cast %add3A_182 : i32 to index
      %swap3A_184 = tpu.vector_load %arg10[%swap3A_183] {strides = array<i32>} : memref<8192xi32, #tpu.memory_space<vmem>>, vector<16xi32>,
      %swap3A_185 = vector.shape_cast %swap3A_184 : vector<16xi32> to vector<16xi32>
      %swap3A_186 = vector.shape_cast %add3A_180 : vector<16xi32> to vector<16xi32>
      tpu.vector_store %arg10[%swap3A_183], %swap3A_186 {strides = array<i32>} : memref<8192xi32, #tpu.memory_space<vmem>>, vector<16xi32>,
      %add3A_187 = arith.constant 458752 : i32
      %add3A_188 = vector.broadcast %add3A_187 : i32 to vector<16xi32>
      %add3A_189 = arith.addi %add3A_51, %add3A_188 : vector<16xi32>
      %add3A_190 = arith.constant 3584 : i32
      %add3A_191 = arith.addi %add3A_190, %mul3A_22 : i32
      %swap3A_192 = arith.index_cast %add3A_191 : i32 to index
      %swap3A_193 = tpu.vector_load %arg9[%swap3A_192] {strides = array<i32>} : memref<8192xi32, #tpu.memory_space<vmem>>, vector<16xi32>,
      %swap3A_194 = vector.shape_cast %swap3A_193 : vector<16xi32> to vector<16xi32>
      %swap3A_195 = vector.shape_cast %add3A_189 : vector<16xi32> to vector<16xi32>
      tpu.vector_store %arg9[%swap3A_192], %swap3A_195 {strides = array<i32>} : memref<8192xi32, #tpu.memory_space<vmem>>, vector<16xi32>,
      %add3A_196 = arith.constant 458752 : i32
      %add3A_197 = vector.broadcast %add3A_196 : i32 to vector<16xi32>
      %add3A_198 = arith.addi %add3A_61, %add3A_197 : vector<16xi32>
      %add3A_199 = arith.constant 3584 : i32
      %add3A_200 = arith.addi %add3A_199, %mul3A_22 : i32
      %swap3A_201 = arith.index_cast %add3A_200 : i32 to index
      %swap3A_202 = tpu.vector_load %arg10[%swap3A_201] {strides = array<i32>} : memref<8192xi32, #tpu.memory_space<vmem>>, vector<16xi32>,
      %swap3A_203 = vector.shape_cast %swap3A_202 : vector<16xi32> to vector<16xi32>
      %swap3A_204 = vector.shape_cast %add3A_198 : vector<16xi32> to vector<16xi32>
      tpu.vector_store %arg10[%swap3A_201], %swap3A_204 {strides = array<i32>} : memref<8192xi32, #tpu.memory_space<vmem>>, vector<16xi32>,
      %add3A_205 = arith.constant 524288 : i32
      %add3A_206 = vector.broadcast %add3A_205 : i32 to vector<16xi32>
      %add3A_207 = arith.addi %add3A_51, %add3A_206 : vector<16xi32>
      %add3A_208 = arith.constant 4096 : i32
      %add3A_209 = arith.addi %add3A_208, %mul3A_22 : i32
      %swap3A_210 = arith.index_cast %add3A_209 : i32 to index
      %swap3A_211 = tpu.vector_load %arg9[%swap3A_210] {strides = array<i32>} : memref<8192xi32, #tpu.memory_space<vmem>>, vector<16xi32>,
      %swap3A_212 = vector.shape_cast %swap3A_211 : vector<16xi32> to vector<16xi32>
      %swap3A_213 = vector.shape_cast %add3A_207 : vector<16xi32> to vector<16xi32>
      tpu.vector_store %arg9[%swap3A_210], %swap3A_213 {strides = array<i32>} : memref<8192xi32, #tpu.memory_space<vmem>>, vector<16xi32>,
      %add3A_214 = arith.constant 524288 : i32
      %add3A_215 = vector.broadcast %add3A_214 : i32 to vector<16xi32>
      %add3A_216 = arith.addi %add3A_61, %add3A_215 : vector<16xi32>
      %add3A_217 = arith.constant 4096 : i32
      %add3A_218 = arith.addi %add3A_217, %mul3A_22 : i32
      %swap3A_219 = arith.index_cast %add3A_218 : i32 to index
      %swap3A_220 = tpu.vector_load %arg10[%swap3A_219] {strides = array<i32>} : memref<8192xi32, #tpu.memory_space<vmem>>, vector<16xi32>,
      %swap3A_221 = vector.shape_cast %swap3A_220 : vector<16xi32> to vector<16xi32>
      %swap3A_222 = vector.shape_cast %add3A_216 : vector<16xi32> to vector<16xi32>
      tpu.vector_store %arg10[%swap3A_219], %swap3A_222 {strides = array<i32>} : memref<8192xi32, #tpu.memory_space<vmem>>, vector<16xi32>,
      %add3A_223 = arith.constant 589824 : i32
      %add3A_224 = vector.broadcast %add3A_223 : i32 to vector<16xi32>
      %add3A_225 = arith.addi %add3A_51, %add3A_224 : vector<16xi32>
      %add3A_226 = arith.constant 4608 : i32
      %add3A_227 = arith.addi %add3A_226, %mul3A_22 : i32
      %swap3A_228 = arith.index_cast %add3A_227 : i32 to index
      %swap3A_229 = tpu.vector_load %arg9[%swap3A_228] {strides = array<i32>} : memref<8192xi32, #tpu.memory_space<vmem>>, vector<16xi32>,
      %swap3A_230 = vector.shape_cast %swap3A_229 : vector<16xi32> to vector<16xi32>
      %swap3A_231 = vector.shape_cast %add3A_225 : vector<16xi32> to vector<16xi32>
      tpu.vector_store %arg9[%swap3A_228], %swap3A_231 {strides = array<i32>} : memref<8192xi32, #tpu.memory_space<vmem>>, vector<16xi32>,
      %add3A_232 = arith.constant 589824 : i32
      %add3A_233 = vector.broadcast %add3A_232 : i32 to vector<16xi32>
      %add3A_234 = arith.addi %add3A_61, %add3A_233 : vector<16xi32>
      %add3A_235 = arith.constant 4608 : i32
      %add3A_236 = arith.addi %add3A_235, %mul3A_22 : i32
      %swap3A_237 = arith.index_cast %add3A_236 : i32 to index
      %swap3A_238 = tpu.vector_load %arg10[%swap3A_237] {strides = array<i32>} : memref<8192xi32, #tpu.memory_space<vmem>>, vector<16xi32>,
      %swap3A_239 = vector.shape_cast %swap3A_238 : vector<16xi32> to vector<16xi32>
      %swap3A_240 = vector.shape_cast %add3A_234 : vector<16xi32> to vector<16xi32>
      tpu.vector_store %arg10[%swap3A_237], %swap3A_240 {strides = array<i32>} : memref<8192xi32, #tpu.memory_space<vmem>>, vector<16xi32>,
      %add3A_241 = arith.constant 655360 : i32
      %add3A_242 = vector.broadcast %add3A_241 : i32 to vector<16xi32>
      %add3A_243 = arith.addi %add3A_51, %add3A_242 : vector<16xi32>
      %add3A_244 = arith.constant 5120 : i32
      %add3A_245 = arith.addi %add3A_244, %mul3A_22 : i32
      %swap3A_246 = arith.index_cast %add3A_245 : i32 to index
      %swap3A_247 = tpu.vector_load %arg9[%swap3A_246] {strides = array<i32>} : memref<8192xi32, #tpu.memory_space<vmem>>, vector<16xi32>,
      %swap3A_248 = vector.shape_cast %swap3A_247 : vector<16xi32> to vector<16xi32>
      %swap3A_249 = vector.shape_cast %add3A_243 : vector<16xi32> to vector<16xi32>
      tpu.vector_store %arg9[%swap3A_246], %swap3A_249 {strides = array<i32>} : memref<8192xi32, #tpu.memory_space<vmem>>, vector<16xi32>,
      %add3A_250 = arith.constant 655360 : i32
      %add3A_251 = vector.broadcast %add3A_250 : i32 to vector<16xi32>
      %add3A_252 = arith.addi %add3A_61, %add3A_251 : vector<16xi32>
      %add3A_253 = arith.constant 5120 : i32
      %add3A_254 = arith.addi %add3A_253, %mul3A_22 : i32
      %swap3A_255 = arith.index_cast %add3A_254 : i32 to index
      %swap3A_256 = tpu.vector_load %arg10[%swap3A_255] {strides = array<i32>} : memref<8192xi32, #tpu.memory_space<vmem>>, vector<16xi32>,
      %swap3A_257 = vector.shape_cast %swap3A_256 : vector<16xi32> to vector<16xi32>
      %swap3A_258 = vector.shape_cast %add3A_252 : vector<16xi32> to vector<16xi32>
      tpu.vector_store %arg10[%swap3A_255], %swap3A_258 {strides = array<i32>} : memref<8192xi32, #tpu.memory_space<vmem>>, vector<16xi32>,
      %add3A_259 = arith.constant 720896 : i32
      %add3A_260 = vector.broadcast %add3A_259 : i32 to vector<16xi32>
      %add3A_261 = arith.addi %add3A_51, %add3A_260 : vector<16xi32>
      %add3A_262 = arith.constant 5632 : i32
      %add3A_263 = arith.addi %add3A_262, %mul3A_22 : i32
      %swap3A_264 = arith.index_cast %add3A_263 : i32 to index
      %swap3A_265 = tpu.vector_load %arg9[%swap3A_264] {strides = array<i32>} : memref<8192xi32, #tpu.memory_space<vmem>>, vector<16xi32>,
      %swap3A_266 = vector.shape_cast %swap3A_265 : vector<16xi32> to vector<16xi32>
      %swap3A_267 = vector.shape_cast %add3A_261 : vector<16xi32> to vector<16xi32>
      tpu.vector_store %arg9[%swap3A_264], %swap3A_267 {strides = array<i32>} : memref<8192xi32, #tpu.memory_space<vmem>>, vector<16xi32>,
      %add3A_268 = arith.constant 720896 : i32
      %add3A_269 = vector.broadcast %add3A_268 : i32 to vector<16xi32>
      %add3A_270 = arith.addi %add3A_61, %add3A_269 : vector<16xi32>
      %add3A_271 = arith.constant 5632 : i32
      %add3A_272 = arith.addi %add3A_271, %mul3A_22 : i32
      %swap3A_273 = arith.index_cast %add3A_272 : i32 to index
      %swap3A_274 = tpu.vector_load %arg10[%swap3A_273] {strides = array<i32>} : memref<8192xi32, #tpu.memory_space<vmem>>, vector<16xi32>,
      %swap3A_275 = vector.shape_cast %swap3A_274 : vector<16xi32> to vector<16xi32>
      %swap3A_276 = vector.shape_cast %add3A_270 : vector<16xi32> to vector<16xi32>
      tpu.vector_store %arg10[%swap3A_273], %swap3A_276 {strides = array<i32>} : memref<8192xi32, #tpu.memory_space<vmem>>, vector<16xi32>,
      %add3A_277 = arith.constant 786432 : i32
      %add3A_278 = vector.broadcast %add3A_277 : i32 to vector<16xi32>
      %add3A_279 = arith.addi %add3A_51, %add3A_278 : vector<16xi32>
      %add3A_280 = arith.constant 6144 : i32
      %add3A_281 = arith.addi %add3A_280, %mul3A_22 : i32
      %swap3A_282 = arith.index_cast %add3A_281 : i32 to index
      %swap3A_283 = tpu.vector_load %arg9[%swap3A_282] {strides = array<i32>} : memref<8192xi32, #tpu.memory_space<vmem>>, vector<16xi32>,
      %swap3A_284 = vector.shape_cast %swap3A_283 : vector<16xi32> to vector<16xi32>
      %swap3A_285 = vector.shape_cast %add3A_279 : vector<16xi32> to vector<16xi32>
      tpu.vector_store %arg9[%swap3A_282], %swap3A_285 {strides = array<i32>} : memref<8192xi32, #tpu.memory_space<vmem>>, vector<16xi32>,
      %add3A_286 = arith.constant 786432 : i32
      %add3A_287 = vector.broadcast %add3A_286 : i32 to vector<16xi32>
      %add3A_288 = arith.addi %add3A_61, %add3A_287 : vector<16xi32>
      %add3A_289 = arith.constant 6144 : i32
      %add3A_290 = arith.addi %add3A_289, %mul3A_22 : i32
      %swap3A_291 = arith.index_cast %add3A_290 : i32 to index
      %swap3A_292 = tpu.vector_load %arg10[%swap3A_291] {strides = array<i32>} : memref<8192xi32, #tpu.memory_space<vmem>>, vector<16xi32>,
      %swap3A_293 = vector.shape_cast %swap3A_292 : vector<16xi32> to vector<16xi32>
      %swap3A_294 = vector.shape_cast %add3A_288 : vector<16xi32> to vector<16xi32>
      tpu.vector_store %arg10[%swap3A_291], %swap3A_294 {strides = array<i32>} : memref<8192xi32, #tpu.memory_space<vmem>>, vector<16xi32>,
      %add3A_295 = arith.constant 851968 : i32
      %add3A_296 = vector.broadcast %add3A_295 : i32 to vector<16xi32>
      %add3A_297 = arith.addi %add3A_51, %add3A_296 : vector<16xi32>
      %add3A_298 = arith.constant 6656 : i32
      %add3A_299 = arith.addi %add3A_298, %mul3A_22 : i32
      %swap3A_300 = arith.index_cast %add3A_299 : i32 to index
      %swap3A_301 = tpu.vector_load %arg9[%swap3A_300] {strides = array<i32>} : memref<8192xi32, #tpu.memory_space<vmem>>, vector<16xi32>,
      %swap3A_302 = vector.shape_cast %swap3A_301 : vector<16xi32> to vector<16xi32>
      %swap3A_303 = vector.shape_cast %add3A_297 : vector<16xi32> to vector<16xi32>
      tpu.vector_store %arg9[%swap3A_300], %swap3A_303 {strides = array<i32>} : memref<8192xi32, #tpu.memory_space<vmem>>, vector<16xi32>,
      %add3A_304 = arith.constant 851968 : i32
      %add3A_305 = vector.broadcast %add3A_304 : i32 to vector<16xi32>
      %add3A_306 = arith.addi %add3A_61, %add3A_305 : vector<16xi32>
      %add3A_307 = arith.constant 6656 : i32
      %add3A_308 = arith.addi %add3A_307, %mul3A_22 : i32
      %swap3A_309 = arith.index_cast %add3A_308 : i32 to index
      %swap3A_310 = tpu.vector_load %arg10[%swap3A_309] {strides = array<i32>} : memref<8192xi32, #tpu.memory_space<vmem>>, vector<16xi32>,
      %swap3A_311 = vector.shape_cast %swap3A_310 : vector<16xi32> to vector<16xi32>
      %swap3A_312 = vector.shape_cast %add3A_306 : vector<16xi32> to vector<16xi32>
      tpu.vector_store %arg10[%swap3A_309], %swap3A_312 {strides = array<i32>} : memref<8192xi32, #tpu.memory_space<vmem>>, vector<16xi32>,
      %add3A_313 = arith.constant 917504 : i32
      %add3A_314 = vector.broadcast %add3A_313 : i32 to vector<16xi32>
      %add3A_315 = arith.addi %add3A_51, %add3A_314 : vector<16xi32>
      %add3A_316 = arith.constant 7168 : i32
      %add3A_317 = arith.addi %add3A_316, %mul3A_22 : i32
      %swap3A_318 = arith.index_cast %add3A_317 : i32 to index
      %swap3A_319 = tpu.vector_load %arg9[%swap3A_318] {strides = array<i32>} : memref<8192xi32, #tpu.memory_space<vmem>>, vector<16xi32>,
      %swap3A_320 = vector.shape_cast %swap3A_319 : vector<16xi32> to vector<16xi32>
      %swap3A_321 = vector.shape_cast %add3A_315 : vector<16xi32> to vector<16xi32>
      tpu.vector_store %arg9[%swap3A_318], %swap3A_321 {strides = array<i32>} : memref<8192xi32, #tpu.memory_space<vmem>>, vector<16xi32>,
      %add3A_322 = arith.constant 917504 : i32
      %add3A_323 = vector.broadcast %add3A_322 : i32 to vector<16xi32>
      %add3A_324 = arith.addi %add3A_61, %add3A_323 : vector<16xi32>
      %add3A_325 = arith.constant 7168 : i32
      %add3A_326 = arith.addi %add3A_325, %mul3A_22 : i32
      %swap3A_327 = arith.index_cast %add3A_326 : i32 to index
      %swap3A_328 = tpu.vector_load %arg10[%swap3A_327] {strides = array<i32>} : memref<8192xi32, #tpu.memory_space<vmem>>, vector<16xi32>,
      %swap3A_329 = vector.shape_cast %swap3A_328 : vector<16xi32> to vector<16xi32>
      %swap3A_330 = vector.shape_cast %add3A_324 : vector<16xi32> to vector<16xi32>
      tpu.vector_store %arg10[%swap3A_327], %swap3A_330 {strides = array<i32>} : memref<8192xi32, #tpu.memory_space<vmem>>, vector<16xi32>,
      %add3A_331 = arith.constant 983040 : i32
      %add3A_332 = vector.broadcast %add3A_331 : i32 to vector<16xi32>
      %add3A_333 = arith.addi %add3A_51, %add3A_332 : vector<16xi32>
      %add3A_334 = arith.constant 7680 : i32
      %add3A_335 = arith.addi %add3A_334, %mul3A_22 : i32
      %swap3A_336 = arith.index_cast %add3A_335 : i32 to index
      %swap3A_337 = tpu.vector_load %arg9[%swap3A_336] {strides = array<i32>} : memref<8192xi32, #tpu.memory_space<vmem>>, vector<16xi32>,
      %swap3A_338 = vector.shape_cast %swap3A_337 : vector<16xi32> to vector<16xi32>
      %swap3A_339 = vector.shape_cast %add3A_333 : vector<16xi32> to vector<16xi32>
      tpu.vector_store %arg9[%swap3A_336], %swap3A_339 {strides = array<i32>} : memref<8192xi32, #tpu.memory_space<vmem>>, vector<16xi32>,
      %add3A_340 = arith.constant 983040 : i32
      %add3A_341 = vector.broadcast %add3A_340 : i32 to vector<16xi32>
      %add3A_342 = arith.addi %add3A_61, %add3A_341 : vector<16xi32>
      %add3A_343 = arith.constant 7680 : i32
      %add3A_344 = arith.addi %add3A_343, %mul3A_22 : i32
      %swap3A_345 = arith.index_cast %add3A_344 : i32 to index
      %swap3A_346 = tpu.vector_load %arg10[%swap3A_345] {strides = array<i32>} : memref<8192xi32, #tpu.memory_space<vmem>>, vector<16xi32>,
      %swap3A_347 = vector.shape_cast %swap3A_346 : vector<16xi32> to vector<16xi32>
      %swap3A_348 = vector.shape_cast %add3A_342 : vector<16xi32> to vector<16xi32>
      tpu.vector_store %arg10[%swap3A_345], %swap3A_348 {strides = array<i32>} : memref<8192xi32, #tpu.memory_space<vmem>>, vector<16xi32>,
    }
    %scan3A_7 = arith.constant 32 : i32
    %dma_start3A = arith.constant 0 : i32
    %dma_start3A_8 = tpu.memref_slice %arg4[%dma_start3A] : memref<16777216xf32, #tpu.memory_space<hbm>> -> memref<16777216xf32, #tpu.memory_space<hbm>>
    tpu.enqueue_indirect_dma source(%dma_start3A_8 : memref<16777216xf32, #tpu.memory_space<hbm>>) target(%arg11 : memref<8192xf32, #tpu.memory_space<vmem>>) offsets(%arg9 : memref<8192xi32, #tpu.memory_space<vmem>>) semaphore(%arg14 : memref<!tpu.dma_semaphore, #tpu.memory_space<semaphore_mem>>)
    %dma_start3A_9 = arith.constant 0 : i32
    %dma_start3A_10 = tpu.memref_slice %arg5[%dma_start3A_9] : memref<16777216xf32, #tpu.memory_space<hbm>> -> memref<16777216xf32, #tpu.memory_space<hbm>>
    tpu.enqueue_indirect_dma source(%dma_start3A_10 : memref<16777216xf32, #tpu.memory_space<hbm>>) target(%arg12 : memref<8192xf32, #tpu.memory_space<vmem>>) offsets(%arg10 : memref<8192xi32, #tpu.memory_space<vmem>>) semaphore(%arg14 : memref<!tpu.dma_semaphore, #tpu.memory_space<semaphore_mem>>)
    %dma_wait3A = arith.constant 0 : i32
    %dma_wait3A_11 = tpu.memref_slice %arg4[%dma_wait3A] : memref<16777216xf32, #tpu.memory_space<hbm>> -> memref<16777216xf32, #tpu.memory_space<hbm>>
    tpu.wait_indirect_dma semaphore(%arg14 : memref<!tpu.dma_semaphore, #tpu.memory_space<semaphore_mem>>) src(%dma_wait3A_11 : memref<16777216xf32, #tpu.memory_space<hbm>>) dst(%arg11 : memref<8192xf32, #tpu.memory_space<vmem>>)
    %dma_wait3A_12 = arith.constant 0 : i32
    %dma_wait3A_13 = tpu.memref_slice %arg5[%dma_wait3A_12] : memref<16777216xf32, #tpu.memory_space<hbm>> -> memref<16777216xf32, #tpu.memory_space<hbm>>
    tpu.wait_indirect_dma semaphore(%arg14 : memref<!tpu.dma_semaphore, #tpu.memory_space<semaphore_mem>>) src(%dma_wait3A_13 : memref<16777216xf32, #tpu.memory_space<hbm>>) dst(%arg12 : memref<8192xf32, #tpu.memory_space<vmem>>)
    %scan3A_14 = arith.constant 0 : i32
    %scan3A_15 = arith.constant 0 : i32
    %scan3A_16 = arith.constant 32 : i32
    %scan3A_17 = arith.addi %scan3A_15, %scan3A_16 : i32
    %scan3A_18 = arith.constant 1 : i32
    scf.for %scan3A_20 = %scan3A_15 to %scan3A_17 step %scan3A_18  : i32 {
      %mul3A_21 = arith.constant 16 : i32
      %mul3A_22 = arith.muli %scan3A_20, %mul3A_21 : i32
      %broadcast_in_dim3A = arith.constant 0.000000e+00 : f32
      %broadcast_in_dim3A_23 = vector.broadcast %broadcast_in_dim3A : f32 to vector<16xf32>
      %add3A_24 = arith.constant 0 : i32
      %add3A_25 = arith.addi %add3A_24, %mul3A_22 : i32
      %get3A = arith.index_cast %add3A_25 : i32 to index
      %get3A_26 = tpu.vector_load %arg11[%get3A] {strides = array<i32>} : memref<8192xf32, #tpu.memory_space<vmem>>, vector<16xf32>,
      %get3A_27 = vector.shape_cast %get3A_26 : vector<16xf32> to vector<16xf32>
      %add3A_28 = arith.constant 0 : i32
      %add3A_29 = arith.addi %add3A_28, %mul3A_22 : i32
      %get3A_30 = arith.index_cast %add3A_29 : i32 to index
      %get3A_31 = tpu.vector_load %arg12[%get3A_30] {strides = array<i32>} : memref<8192xf32, #tpu.memory_space<vmem>>, vector<16xf32>,
      %get3A_32 = vector.shape_cast %get3A_31 : vector<16xf32> to vector<16xf32>
      %mul3A_33 = arith.mulf %get3A_27, %get3A_32 : vector<16xf32>
      %add3A_34 = arith.addf %broadcast_in_dim3A_23, %mul3A_33 : vector<16xf32>
      %add3A_35 = arith.constant 512 : i32
      %add3A_36 = arith.addi %add3A_35, %mul3A_22 : i32
      %get3A_37 = arith.index_cast %add3A_36 : i32 to index
      %get3A_38 = tpu.vector_load %arg11[%get3A_37] {strides = array<i32>} : memref<8192xf32, #tpu.memory_space<vmem>>, vector<16xf32>,
      %get3A_39 = vector.shape_cast %get3A_38 : vector<16xf32> to vector<16xf32>
      %add3A_40 = arith.constant 512 : i32
      %add3A_41 = arith.addi %add3A_40, %mul3A_22 : i32
      %get3A_42 = arith.index_cast %add3A_41 : i32 to index
      %get3A_43 = tpu.vector_load %arg12[%get3A_42] {strides = array<i32>} : memref<8192xf32, #tpu.memory_space<vmem>>, vector<16xf32>,
      %get3A_44 = vector.shape_cast %get3A_43 : vector<16xf32> to vector<16xf32>
      %mul3A_45 = arith.mulf %get3A_39, %get3A_44 : vector<16xf32>
      %add3A_46 = arith.addf %add3A_34, %mul3A_45 : vector<16xf32>
      %add3A_47 = arith.constant 1024 : i32
      %add3A_48 = arith.addi %add3A_47, %mul3A_22 : i32
      %get3A_49 = arith.index_cast %add3A_48 : i32 to index
      %get3A_50 = tpu.vector_load %arg11[%get3A_49] {strides = array<i32>} : memref<8192xf32, #tpu.memory_space<vmem>>, vector<16xf32>,
      %get3A_51 = vector.shape_cast %get3A_50 : vector<16xf32> to vector<16xf32>
      %add3A_52 = arith.constant 1024 : i32
      %add3A_53 = arith.addi %add3A_52, %mul3A_22 : i32
      %get3A_54 = arith.index_cast %add3A_53 : i32 to index
      %get3A_55 = tpu.vector_load %arg12[%get3A_54] {strides = array<i32>} : memref<8192xf32, #tpu.memory_space<vmem>>, vector<16xf32>,
      %get3A_56 = vector.shape_cast %get3A_55 : vector<16xf32> to vector<16xf32>
      %mul3A_57 = arith.mulf %get3A_51, %get3A_56 : vector<16xf32>
      %add3A_58 = arith.addf %add3A_46, %mul3A_57 : vector<16xf32>
      %add3A_59 = arith.constant 1536 : i32
      %add3A_60 = arith.addi %add3A_59, %mul3A_22 : i32
      %get3A_61 = arith.index_cast %add3A_60 : i32 to index
      %get3A_62 = tpu.vector_load %arg11[%get3A_61] {strides = array<i32>} : memref<8192xf32, #tpu.memory_space<vmem>>, vector<16xf32>,
      %get3A_63 = vector.shape_cast %get3A_62 : vector<16xf32> to vector<16xf32>
      %add3A_64 = arith.constant 1536 : i32
      %add3A_65 = arith.addi %add3A_64, %mul3A_22 : i32
      %get3A_66 = arith.index_cast %add3A_65 : i32 to index
      %get3A_67 = tpu.vector_load %arg12[%get3A_66] {strides = array<i32>} : memref<8192xf32, #tpu.memory_space<vmem>>, vector<16xf32>,
      %get3A_68 = vector.shape_cast %get3A_67 : vector<16xf32> to vector<16xf32>
      %mul3A_69 = arith.mulf %get3A_63, %get3A_68 : vector<16xf32>
      %add3A_70 = arith.addf %add3A_58, %mul3A_69 : vector<16xf32>
      %add3A_71 = arith.constant 2048 : i32
      %add3A_72 = arith.addi %add3A_71, %mul3A_22 : i32
      %get3A_73 = arith.index_cast %add3A_72 : i32 to index
      %get3A_74 = tpu.vector_load %arg11[%get3A_73] {strides = array<i32>} : memref<8192xf32, #tpu.memory_space<vmem>>, vector<16xf32>,
      %get3A_75 = vector.shape_cast %get3A_74 : vector<16xf32> to vector<16xf32>
      %add3A_76 = arith.constant 2048 : i32
      %add3A_77 = arith.addi %add3A_76, %mul3A_22 : i32
      %get3A_78 = arith.index_cast %add3A_77 : i32 to index
      %get3A_79 = tpu.vector_load %arg12[%get3A_78] {strides = array<i32>} : memref<8192xf32, #tpu.memory_space<vmem>>, vector<16xf32>,
      %get3A_80 = vector.shape_cast %get3A_79 : vector<16xf32> to vector<16xf32>
      %mul3A_81 = arith.mulf %get3A_75, %get3A_80 : vector<16xf32>
      %add3A_82 = arith.addf %add3A_70, %mul3A_81 : vector<16xf32>
      %add3A_83 = arith.constant 2560 : i32
      %add3A_84 = arith.addi %add3A_83, %mul3A_22 : i32
      %get3A_85 = arith.index_cast %add3A_84 : i32 to index
      %get3A_86 = tpu.vector_load %arg11[%get3A_85] {strides = array<i32>} : memref<8192xf32, #tpu.memory_space<vmem>>, vector<16xf32>,
      %get3A_87 = vector.shape_cast %get3A_86 : vector<16xf32> to vector<16xf32>
      %add3A_88 = arith.constant 2560 : i32
      %add3A_89 = arith.addi %add3A_88, %mul3A_22 : i32
      %get3A_90 = arith.index_cast %add3A_89 : i32 to index
      %get3A_91 = tpu.vector_load %arg12[%get3A_90] {strides = array<i32>} : memref<8192xf32, #tpu.memory_space<vmem>>, vector<16xf32>,
      %get3A_92 = vector.shape_cast %get3A_91 : vector<16xf32> to vector<16xf32>
      %mul3A_93 = arith.mulf %get3A_87, %get3A_92 : vector<16xf32>
      %add3A_94 = arith.addf %add3A_82, %mul3A_93 : vector<16xf32>
      %add3A_95 = arith.constant 3072 : i32
      %add3A_96 = arith.addi %add3A_95, %mul3A_22 : i32
      %get3A_97 = arith.index_cast %add3A_96 : i32 to index
      %get3A_98 = tpu.vector_load %arg11[%get3A_97] {strides = array<i32>} : memref<8192xf32, #tpu.memory_space<vmem>>, vector<16xf32>,
      %get3A_99 = vector.shape_cast %get3A_98 : vector<16xf32> to vector<16xf32>
      %add3A_100 = arith.constant 3072 : i32
      %add3A_101 = arith.addi %add3A_100, %mul3A_22 : i32
      %get3A_102 = arith.index_cast %add3A_101 : i32 to index
      %get3A_103 = tpu.vector_load %arg12[%get3A_102] {strides = array<i32>} : memref<8192xf32, #tpu.memory_space<vmem>>, vector<16xf32>,
      %get3A_104 = vector.shape_cast %get3A_103 : vector<16xf32> to vector<16xf32>
      %mul3A_105 = arith.mulf %get3A_99, %get3A_104 : vector<16xf32>
      %add3A_106 = arith.addf %add3A_94, %mul3A_105 : vector<16xf32>
      %add3A_107 = arith.constant 3584 : i32
      %add3A_108 = arith.addi %add3A_107, %mul3A_22 : i32
      %get3A_109 = arith.index_cast %add3A_108 : i32 to index
      %get3A_110 = tpu.vector_load %arg11[%get3A_109] {strides = array<i32>} : memref<8192xf32, #tpu.memory_space<vmem>>, vector<16xf32>,
      %get3A_111 = vector.shape_cast %get3A_110 : vector<16xf32> to vector<16xf32>
      %add3A_112 = arith.constant 3584 : i32
      %add3A_113 = arith.addi %add3A_112, %mul3A_22 : i32
      %get3A_114 = arith.index_cast %add3A_113 : i32 to index
      %get3A_115 = tpu.vector_load %arg12[%get3A_114] {strides = array<i32>} : memref<8192xf32, #tpu.memory_space<vmem>>, vector<16xf32>,
      %get3A_116 = vector.shape_cast %get3A_115 : vector<16xf32> to vector<16xf32>
      %mul3A_117 = arith.mulf %get3A_111, %get3A_116 : vector<16xf32>
      %add3A_118 = arith.addf %add3A_106, %mul3A_117 : vector<16xf32>
      %add3A_119 = arith.constant 4096 : i32
      %add3A_120 = arith.addi %add3A_119, %mul3A_22 : i32
      %get3A_121 = arith.index_cast %add3A_120 : i32 to index
      %get3A_122 = tpu.vector_load %arg11[%get3A_121] {strides = array<i32>} : memref<8192xf32, #tpu.memory_space<vmem>>, vector<16xf32>,
      %get3A_123 = vector.shape_cast %get3A_122 : vector<16xf32> to vector<16xf32>
      %add3A_124 = arith.constant 4096 : i32
      %add3A_125 = arith.addi %add3A_124, %mul3A_22 : i32
      %get3A_126 = arith.index_cast %add3A_125 : i32 to index
      %get3A_127 = tpu.vector_load %arg12[%get3A_126] {strides = array<i32>} : memref<8192xf32, #tpu.memory_space<vmem>>, vector<16xf32>,
      %get3A_128 = vector.shape_cast %get3A_127 : vector<16xf32> to vector<16xf32>
      %mul3A_129 = arith.mulf %get3A_123, %get3A_128 : vector<16xf32>
      %add3A_130 = arith.addf %add3A_118, %mul3A_129 : vector<16xf32>
      %add3A_131 = arith.constant 4608 : i32
      %add3A_132 = arith.addi %add3A_131, %mul3A_22 : i32
      %get3A_133 = arith.index_cast %add3A_132 : i32 to index
      %get3A_134 = tpu.vector_load %arg11[%get3A_133] {strides = array<i32>} : memref<8192xf32, #tpu.memory_space<vmem>>, vector<16xf32>,
      %get3A_135 = vector.shape_cast %get3A_134 : vector<16xf32> to vector<16xf32>
      %add3A_136 = arith.constant 4608 : i32
      %add3A_137 = arith.addi %add3A_136, %mul3A_22 : i32
      %get3A_138 = arith.index_cast %add3A_137 : i32 to index
      %get3A_139 = tpu.vector_load %arg12[%get3A_138] {strides = array<i32>} : memref<8192xf32, #tpu.memory_space<vmem>>, vector<16xf32>,
      %get3A_140 = vector.shape_cast %get3A_139 : vector<16xf32> to vector<16xf32>
      %mul3A_141 = arith.mulf %get3A_135, %get3A_140 : vector<16xf32>
      %add3A_142 = arith.addf %add3A_130, %mul3A_141 : vector<16xf32>
      %add3A_143 = arith.constant 5120 : i32
      %add3A_144 = arith.addi %add3A_143, %mul3A_22 : i32
      %get3A_145 = arith.index_cast %add3A_144 : i32 to index
      %get3A_146 = tpu.vector_load %arg11[%get3A_145] {strides = array<i32>} : memref<8192xf32, #tpu.memory_space<vmem>>, vector<16xf32>,
      %get3A_147 = vector.shape_cast %get3A_146 : vector<16xf32> to vector<16xf32>
      %add3A_148 = arith.constant 5120 : i32
      %add3A_149 = arith.addi %add3A_148, %mul3A_22 : i32
      %get3A_150 = arith.index_cast %add3A_149 : i32 to index
      %get3A_151 = tpu.vector_load %arg12[%get3A_150] {strides = array<i32>} : memref<8192xf32, #tpu.memory_space<vmem>>, vector<16xf32>,
      %get3A_152 = vector.shape_cast %get3A_151 : vector<16xf32> to vector<16xf32>
      %mul3A_153 = arith.mulf %get3A_147, %get3A_152 : vector<16xf32>
      %add3A_154 = arith.addf %add3A_142, %mul3A_153 : vector<16xf32>
      %add3A_155 = arith.constant 5632 : i32
      %add3A_156 = arith.addi %add3A_155, %mul3A_22 : i32
      %get3A_157 = arith.index_cast %add3A_156 : i32 to index
      %get3A_158 = tpu.vector_load %arg11[%get3A_157] {strides = array<i32>} : memref<8192xf32, #tpu.memory_space<vmem>>, vector<16xf32>,
      %get3A_159 = vector.shape_cast %get3A_158 : vector<16xf32> to vector<16xf32>
      %add3A_160 = arith.constant 5632 : i32
      %add3A_161 = arith.addi %add3A_160, %mul3A_22 : i32
      %get3A_162 = arith.index_cast %add3A_161 : i32 to index
      %get3A_163 = tpu.vector_load %arg12[%get3A_162] {strides = array<i32>} : memref<8192xf32, #tpu.memory_space<vmem>>, vector<16xf32>,
      %get3A_164 = vector.shape_cast %get3A_163 : vector<16xf32> to vector<16xf32>
      %mul3A_165 = arith.mulf %get3A_159, %get3A_164 : vector<16xf32>
      %add3A_166 = arith.addf %add3A_154, %mul3A_165 : vector<16xf32>
      %add3A_167 = arith.constant 6144 : i32
      %add3A_168 = arith.addi %add3A_167, %mul3A_22 : i32
      %get3A_169 = arith.index_cast %add3A_168 : i32 to index
      %get3A_170 = tpu.vector_load %arg11[%get3A_169] {strides = array<i32>} : memref<8192xf32, #tpu.memory_space<vmem>>, vector<16xf32>,
      %get3A_171 = vector.shape_cast %get3A_170 : vector<16xf32> to vector<16xf32>
      %add3A_172 = arith.constant 6144 : i32
      %add3A_173 = arith.addi %add3A_172, %mul3A_22 : i32
      %get3A_174 = arith.index_cast %add3A_173 : i32 to index
      %get3A_175 = tpu.vector_load %arg12[%get3A_174] {strides = array<i32>} : memref<8192xf32, #tpu.memory_space<vmem>>, vector<16xf32>,
      %get3A_176 = vector.shape_cast %get3A_175 : vector<16xf32> to vector<16xf32>
      %mul3A_177 = arith.mulf %get3A_171, %get3A_176 : vector<16xf32>
      %add3A_178 = arith.addf %add3A_166, %mul3A_177 : vector<16xf32>
      %add3A_179 = arith.constant 6656 : i32
      %add3A_180 = arith.addi %add3A_179, %mul3A_22 : i32
      %get3A_181 = arith.index_cast %add3A_180 : i32 to index
      %get3A_182 = tpu.vector_load %arg11[%get3A_181] {strides = array<i32>} : memref<8192xf32, #tpu.memory_space<vmem>>, vector<16xf32>,
      %get3A_183 = vector.shape_cast %get3A_182 : vector<16xf32> to vector<16xf32>
      %add3A_184 = arith.constant 6656 : i32
      %add3A_185 = arith.addi %add3A_184, %mul3A_22 : i32
      %get3A_186 = arith.index_cast %add3A_185 : i32 to index
      %get3A_187 = tpu.vector_load %arg12[%get3A_186] {strides = array<i32>} : memref<8192xf32, #tpu.memory_space<vmem>>, vector<16xf32>,
      %get3A_188 = vector.shape_cast %get3A_187 : vector<16xf32> to vector<16xf32>
      %mul3A_189 = arith.mulf %get3A_183, %get3A_188 : vector<16xf32>
      %add3A_190 = arith.addf %add3A_178, %mul3A_189 : vector<16xf32>
      %add3A_191 = arith.constant 7168 : i32
      %add3A_192 = arith.addi %add3A_191, %mul3A_22 : i32
      %get3A_193 = arith.index_cast %add3A_192 : i32 to index
      %get3A_194 = tpu.vector_load %arg11[%get3A_193] {strides = array<i32>} : memref<8192xf32, #tpu.memory_space<vmem>>, vector<16xf32>,
      %get3A_195 = vector.shape_cast %get3A_194 : vector<16xf32> to vector<16xf32>
      %add3A_196 = arith.constant 7168 : i32
      %add3A_197 = arith.addi %add3A_196, %mul3A_22 : i32
      %get3A_198 = arith.index_cast %add3A_197 : i32 to index
      %get3A_199 = tpu.vector_load %arg12[%get3A_198] {strides = array<i32>} : memref<8192xf32, #tpu.memory_space<vmem>>, vector<16xf32>,
      %get3A_200 = vector.shape_cast %get3A_199 : vector<16xf32> to vector<16xf32>
      %mul3A_201 = arith.mulf %get3A_195, %get3A_200 : vector<16xf32>
      %add3A_202 = arith.addf %add3A_190, %mul3A_201 : vector<16xf32>
      %add3A_203 = arith.constant 7680 : i32
      %add3A_204 = arith.addi %add3A_203, %mul3A_22 : i32
      %get3A_205 = arith.index_cast %add3A_204 : i32 to index
      %get3A_206 = tpu.vector_load %arg11[%get3A_205] {strides = array<i32>} : memref<8192xf32, #tpu.memory_space<vmem>>, vector<16xf32>,
      %get3A_207 = vector.shape_cast %get3A_206 : vector<16xf32> to vector<16xf32>
      %add3A_208 = arith.constant 7680 : i32
      %add3A_209 = arith.addi %add3A_208, %mul3A_22 : i32
      %get3A_210 = arith.index_cast %add3A_209 : i32 to index
      %get3A_211 = tpu.vector_load %arg12[%get3A_210] {strides = array<i32>} : memref<8192xf32, #tpu.memory_space<vmem>>, vector<16xf32>,
      %get3A_212 = vector.shape_cast %get3A_211 : vector<16xf32> to vector<16xf32>
      %mul3A_213 = arith.mulf %get3A_207, %get3A_212 : vector<16xf32>
      %add3A_214 = arith.addf %add3A_202, %mul3A_213 : vector<16xf32>
      %mul3A_215 = arith.constant 8.000000e-01 : f32
      %mul3A_216 = vector.broadcast %mul3A_215 : f32 to vector<16xf32>
      %mul3A_217 = arith.mulf %add3A_214, %mul3A_216 : vector<16xf32>
      %swap3A = arith.index_cast %mul3A_22 : i32 to index
      %swap3A_218 = tpu.vector_load %arg13[%swap3A] {strides = array<i32>} : memref<512xf32, #tpu.memory_space<vmem>>, vector<16xf32>,
      %swap3A_219 = vector.shape_cast %swap3A_218 : vector<16xf32> to vector<16xf32>
      %swap3A_220 = vector.shape_cast %mul3A_217 : vector<16xf32> to vector<16xf32>
      tpu.vector_store %arg13[%swap3A], %swap3A_220 {strides = array<i32>} : memref<512xf32, #tpu.memory_space<vmem>>, vector<16xf32>,
    }
    %scan3A_19 = arith.constant 32 : i32
    "tpu.region"() ({
      %run_scoped3A = tpu.sem_alloc : memref<!tpu.dma_semaphore, #tpu.memory_space<semaphore_mem>>
      %dma_start3A_20 = tpu.memref_slice %arg6[%mul3A_2] : memref<16384xf32, #tpu.memory_space<hbm>> -> memref<512xf32, #tpu.memory_space<hbm>>
      %dma_start3A_21 = tpu.memref_slice %arg6[%mul3A_2] : memref<16384xf32, #tpu.memory_space<hbm>> -> memref<512xf32, #tpu.memory_space<hbm>>
      tpu.enqueue_dma source(%arg13 : memref<512xf32, #tpu.memory_space<vmem>>) target(%dma_start3A_21 : memref<512xf32, #tpu.memory_space<hbm>>) target_semaphore(%run_scoped3A : memref<!tpu.dma_semaphore, #tpu.memory_space<semaphore_mem>>)
      %dma_wait3A_22 = tpu.memref_slice %arg6[%mul3A_2] : memref<16384xf32, #tpu.memory_space<hbm>> -> memref<512xf32, #tpu.memory_space<hbm>>
      %dma_wait3A_23 = tpu.memref_slice %arg6[%mul3A_2] : memref<16384xf32, #tpu.memory_space<hbm>> -> memref<512xf32, #tpu.memory_space<hbm>>
      tpu.wait_dma2 semaphore(%run_scoped3A : memref<!tpu.dma_semaphore, #tpu.memory_space<semaphore_mem>>) src(%arg13 : memref<512xf32, #tpu.memory_space<vmem>>) dst(%dma_wait3A_23 : memref<512xf32, #tpu.memory_space<hbm>>)
      tpu.yield
    }) : () -> ()
    return
  }
}

module attributes {stable_mosaic.version = 14 : i64} {
  func.func @_flatten_body(%arg0: i32, %arg1: memref<16x65536xf32, #tpu.memory_space<vmem>>, %arg2: memref<1048576xf32, #tpu.memory_space<vmem>>) attributes {dimension_semantics = [#tpu.dimension_semantics<arbitrary>], iteration_bounds = array<i64: 16>, scalar_prefetch = 0 : i64, scratch_operands = 0 : i64, tpu.core_type = #tpu.core_type<tc>, window_params = [{transform_indices = @transform_0, window_bounds = array<i64: 16, 65536>}, {transform_indices = @transform_1, window_bounds = array<i64: 1048576>}]} {
    %get3A = arith.constant 0 : index
    %get3A_0 = arith.constant 0 : index
    %get3A_1 = vector.load %arg1[%get3A, %get3A_0] : memref<16x65536xf32, #tpu.memory_space<vmem>>, vector<1x65536xf32>
    %get3A_2 = vector.shape_cast %get3A_1 : vector<1x65536xf32> to vector<65536xf32>
    %swap3A = arith.constant 0 : index
    %swap3A_3 = vector.load %arg2[%swap3A] : memref<1048576xf32, #tpu.memory_space<vmem>>, vector<65536xf32>
    tpu.vector_store %arg2[%swap3A], %get3A_2 {strides = array<i32>} : memref<1048576xf32, #tpu.memory_space<vmem>>, vector<65536xf32>,
    %get3A_4 = arith.constant 1 : index
    %get3A_5 = arith.constant 0 : index
    %get3A_6 = vector.load %arg1[%get3A_4, %get3A_5] : memref<16x65536xf32, #tpu.memory_space<vmem>>, vector<1x65536xf32>
    %get3A_7 = vector.shape_cast %get3A_6 : vector<1x65536xf32> to vector<65536xf32>
    %swap3A_8 = arith.constant 65536 : index
    %swap3A_9 = vector.load %arg2[%swap3A_8] : memref<1048576xf32, #tpu.memory_space<vmem>>, vector<65536xf32>
    tpu.vector_store %arg2[%swap3A_8], %get3A_7 {strides = array<i32>} : memref<1048576xf32, #tpu.memory_space<vmem>>, vector<65536xf32>,
    %get3A_10 = arith.constant 2 : index
    %get3A_11 = arith.constant 0 : index
    %get3A_12 = vector.load %arg1[%get3A_10, %get3A_11] : memref<16x65536xf32, #tpu.memory_space<vmem>>, vector<1x65536xf32>
    %get3A_13 = vector.shape_cast %get3A_12 : vector<1x65536xf32> to vector<65536xf32>
    %swap3A_14 = arith.constant 131072 : index
    %swap3A_15 = vector.load %arg2[%swap3A_14] : memref<1048576xf32, #tpu.memory_space<vmem>>, vector<65536xf32>
    tpu.vector_store %arg2[%swap3A_14], %get3A_13 {strides = array<i32>} : memref<1048576xf32, #tpu.memory_space<vmem>>, vector<65536xf32>,
    %get3A_16 = arith.constant 3 : index
    %get3A_17 = arith.constant 0 : index
    %get3A_18 = vector.load %arg1[%get3A_16, %get3A_17] : memref<16x65536xf32, #tpu.memory_space<vmem>>, vector<1x65536xf32>
    %get3A_19 = vector.shape_cast %get3A_18 : vector<1x65536xf32> to vector<65536xf32>
    %swap3A_20 = arith.constant 196608 : index
    %swap3A_21 = vector.load %arg2[%swap3A_20] : memref<1048576xf32, #tpu.memory_space<vmem>>, vector<65536xf32>
    tpu.vector_store %arg2[%swap3A_20], %get3A_19 {strides = array<i32>} : memref<1048576xf32, #tpu.memory_space<vmem>>, vector<65536xf32>,
    %get3A_22 = arith.constant 4 : index
    %get3A_23 = arith.constant 0 : index
    %get3A_24 = vector.load %arg1[%get3A_22, %get3A_23] : memref<16x65536xf32, #tpu.memory_space<vmem>>, vector<1x65536xf32>
    %get3A_25 = vector.shape_cast %get3A_24 : vector<1x65536xf32> to vector<65536xf32>
    %swap3A_26 = arith.constant 262144 : index
    %swap3A_27 = vector.load %arg2[%swap3A_26] : memref<1048576xf32, #tpu.memory_space<vmem>>, vector<65536xf32>
    tpu.vector_store %arg2[%swap3A_26], %get3A_25 {strides = array<i32>} : memref<1048576xf32, #tpu.memory_space<vmem>>, vector<65536xf32>,
    %get3A_28 = arith.constant 5 : index
    %get3A_29 = arith.constant 0 : index
    %get3A_30 = vector.load %arg1[%get3A_28, %get3A_29] : memref<16x65536xf32, #tpu.memory_space<vmem>>, vector<1x65536xf32>
    %get3A_31 = vector.shape_cast %get3A_30 : vector<1x65536xf32> to vector<65536xf32>
    %swap3A_32 = arith.constant 327680 : index
    %swap3A_33 = vector.load %arg2[%swap3A_32] : memref<1048576xf32, #tpu.memory_space<vmem>>, vector<65536xf32>
    tpu.vector_store %arg2[%swap3A_32], %get3A_31 {strides = array<i32>} : memref<1048576xf32, #tpu.memory_space<vmem>>, vector<65536xf32>,
    %get3A_34 = arith.constant 6 : index
    %get3A_35 = arith.constant 0 : index
    %get3A_36 = vector.load %arg1[%get3A_34, %get3A_35] : memref<16x65536xf32, #tpu.memory_space<vmem>>, vector<1x65536xf32>
    %get3A_37 = vector.shape_cast %get3A_36 : vector<1x65536xf32> to vector<65536xf32>
    %swap3A_38 = arith.constant 393216 : index
    %swap3A_39 = vector.load %arg2[%swap3A_38] : memref<1048576xf32, #tpu.memory_space<vmem>>, vector<65536xf32>
    tpu.vector_store %arg2[%swap3A_38], %get3A_37 {strides = array<i32>} : memref<1048576xf32, #tpu.memory_space<vmem>>, vector<65536xf32>,
    %get3A_40 = arith.constant 7 : index
    %get3A_41 = arith.constant 0 : index
    %get3A_42 = vector.load %arg1[%get3A_40, %get3A_41] : memref<16x65536xf32, #tpu.memory_space<vmem>>, vector<1x65536xf32>
    %get3A_43 = vector.shape_cast %get3A_42 : vector<1x65536xf32> to vector<65536xf32>
    %swap3A_44 = arith.constant 458752 : index
    %swap3A_45 = vector.load %arg2[%swap3A_44] : memref<1048576xf32, #tpu.memory_space<vmem>>, vector<65536xf32>
    tpu.vector_store %arg2[%swap3A_44], %get3A_43 {strides = array<i32>} : memref<1048576xf32, #tpu.memory_space<vmem>>, vector<65536xf32>,
    %get3A_46 = arith.constant 8 : index
    %get3A_47 = arith.constant 0 : index
    %get3A_48 = vector.load %arg1[%get3A_46, %get3A_47] : memref<16x65536xf32, #tpu.memory_space<vmem>>, vector<1x65536xf32>
    %get3A_49 = vector.shape_cast %get3A_48 : vector<1x65536xf32> to vector<65536xf32>
    %swap3A_50 = arith.constant 524288 : index
    %swap3A_51 = vector.load %arg2[%swap3A_50] : memref<1048576xf32, #tpu.memory_space<vmem>>, vector<65536xf32>
    tpu.vector_store %arg2[%swap3A_50], %get3A_49 {strides = array<i32>} : memref<1048576xf32, #tpu.memory_space<vmem>>, vector<65536xf32>,
    %get3A_52 = arith.constant 9 : index
    %get3A_53 = arith.constant 0 : index
    %get3A_54 = vector.load %arg1[%get3A_52, %get3A_53] : memref<16x65536xf32, #tpu.memory_space<vmem>>, vector<1x65536xf32>
    %get3A_55 = vector.shape_cast %get3A_54 : vector<1x65536xf32> to vector<65536xf32>
    %swap3A_56 = arith.constant 589824 : index
    %swap3A_57 = vector.load %arg2[%swap3A_56] : memref<1048576xf32, #tpu.memory_space<vmem>>, vector<65536xf32>
    tpu.vector_store %arg2[%swap3A_56], %get3A_55 {strides = array<i32>} : memref<1048576xf32, #tpu.memory_space<vmem>>, vector<65536xf32>,
    %get3A_58 = arith.constant 10 : index
    %get3A_59 = arith.constant 0 : index
    %get3A_60 = vector.load %arg1[%get3A_58, %get3A_59] : memref<16x65536xf32, #tpu.memory_space<vmem>>, vector<1x65536xf32>
    %get3A_61 = vector.shape_cast %get3A_60 : vector<1x65536xf32> to vector<65536xf32>
    %swap3A_62 = arith.constant 655360 : index
    %swap3A_63 = vector.load %arg2[%swap3A_62] : memref<1048576xf32, #tpu.memory_space<vmem>>, vector<65536xf32>
    tpu.vector_store %arg2[%swap3A_62], %get3A_61 {strides = array<i32>} : memref<1048576xf32, #tpu.memory_space<vmem>>, vector<65536xf32>,
    %get3A_64 = arith.constant 11 : index
    %get3A_65 = arith.constant 0 : index
    %get3A_66 = vector.load %arg1[%get3A_64, %get3A_65] : memref<16x65536xf32, #tpu.memory_space<vmem>>, vector<1x65536xf32>
    %get3A_67 = vector.shape_cast %get3A_66 : vector<1x65536xf32> to vector<65536xf32>
    %swap3A_68 = arith.constant 720896 : index
    %swap3A_69 = vector.load %arg2[%swap3A_68] : memref<1048576xf32, #tpu.memory_space<vmem>>, vector<65536xf32>
    tpu.vector_store %arg2[%swap3A_68], %get3A_67 {strides = array<i32>} : memref<1048576xf32, #tpu.memory_space<vmem>>, vector<65536xf32>,
    %get3A_70 = arith.constant 12 : index
    %get3A_71 = arith.constant 0 : index
    %get3A_72 = vector.load %arg1[%get3A_70, %get3A_71] : memref<16x65536xf32, #tpu.memory_space<vmem>>, vector<1x65536xf32>
    %get3A_73 = vector.shape_cast %get3A_72 : vector<1x65536xf32> to vector<65536xf32>
    %swap3A_74 = arith.constant 786432 : index
    %swap3A_75 = vector.load %arg2[%swap3A_74] : memref<1048576xf32, #tpu.memory_space<vmem>>, vector<65536xf32>
    tpu.vector_store %arg2[%swap3A_74], %get3A_73 {strides = array<i32>} : memref<1048576xf32, #tpu.memory_space<vmem>>, vector<65536xf32>,
    %get3A_76 = arith.constant 13 : index
    %get3A_77 = arith.constant 0 : index
    %get3A_78 = vector.load %arg1[%get3A_76, %get3A_77] : memref<16x65536xf32, #tpu.memory_space<vmem>>, vector<1x65536xf32>
    %get3A_79 = vector.shape_cast %get3A_78 : vector<1x65536xf32> to vector<65536xf32>
    %swap3A_80 = arith.constant 851968 : index
    %swap3A_81 = vector.load %arg2[%swap3A_80] : memref<1048576xf32, #tpu.memory_space<vmem>>, vector<65536xf32>
    tpu.vector_store %arg2[%swap3A_80], %get3A_79 {strides = array<i32>} : memref<1048576xf32, #tpu.memory_space<vmem>>, vector<65536xf32>,
    %get3A_82 = arith.constant 14 : index
    %get3A_83 = arith.constant 0 : index
    %get3A_84 = vector.load %arg1[%get3A_82, %get3A_83] : memref<16x65536xf32, #tpu.memory_space<vmem>>, vector<1x65536xf32>
    %get3A_85 = vector.shape_cast %get3A_84 : vector<1x65536xf32> to vector<65536xf32>
    %swap3A_86 = arith.constant 917504 : index
    %swap3A_87 = vector.load %arg2[%swap3A_86] : memref<1048576xf32, #tpu.memory_space<vmem>>, vector<65536xf32>
    tpu.vector_store %arg2[%swap3A_86], %get3A_85 {strides = array<i32>} : memref<1048576xf32, #tpu.memory_space<vmem>>, vector<65536xf32>,
    %get3A_88 = arith.constant 15 : index
    %get3A_89 = arith.constant 0 : index
    %get3A_90 = vector.load %arg1[%get3A_88, %get3A_89] : memref<16x65536xf32, #tpu.memory_space<vmem>>, vector<1x65536xf32>
    %get3A_91 = vector.shape_cast %get3A_90 : vector<1x65536xf32> to vector<65536xf32>
    %swap3A_92 = arith.constant 983040 : index
    %swap3A_93 = vector.load %arg2[%swap3A_92] : memref<1048576xf32, #tpu.memory_space<vmem>>, vector<65536xf32>
    tpu.vector_store %arg2[%swap3A_92], %get3A_91 {strides = array<i32>} : memref<1048576xf32, #tpu.memory_space<vmem>>, vector<65536xf32>,
    return
  }
  func.func @transform_0(%arg0: i32) -> (i32, i32) {
    %c0_i32 = arith.constant 0 : i32
    %c0_i32_0 = arith.constant 0 : i32
    return %c0_i32, %arg0 : i32, i32
  }
  func.func @transform_1(%arg0: i32) -> i32 {
    %c0_i32 = arith.constant 0 : i32
    return %arg0 : i32
  }
}

</mosaic_0001>

<sc_bundles>
// kernel: kernel.6.cloned.1.call-start
scs
__scs_entry_jumppad:
0x0: {  	(pc) =	sbr.rel $0x88, $3  }
0x1: {  	(tag) =	ssettag $0x0;
	lr =	simm.s32 $0x1  }
0x2: {  	[smem:$0x3F92] =	sst lr;
	_ =	strace $0xD0000000  }
0x3: {  	_ = 	snop  }
0x4: {  	_ = 	snop  }
0x5: {  	_ = 	snop  }
0x6: {  	_ = 	snop  }
0x7: {  	_ = 	snop  }
__scs_overlays_trampoline_lowered:
0x8: {  	[smem:$0x3FA1] =	sst s0  }
0x9: {  	[smem:$0x3FA2] =	sst s1  }
0xa: {  	[smem:$0x3FA3] =	sst s2  }
0xb: {  	[smem:$0x3FA4] =	sst s3  }
0xc: {  	[smem:$0x3FA5] =	sst s4  }
0xd: {  	[smem:$0x3FA6] =	sst s5  }
0xe: {  	[smem:$0x3FA7] =	sst s6  }
0xf: {  	[smem:$0x3FA8] =	sst s7  }
0x10: {  	[smem:$0x3FA9] =	sst s8  }
0x11: {  	[smem:$0x3FAA] =	sst s9;
	s0 =	simm.s32 @!p0 $0x0  }
0x12: {  	s1 =	sld [smem:$0x3F90];
	s0 =	simm.s32 @p0 $0x1  }
0x13: {  	[smem:$0x3FAB] =	sst s0;
	s0 =	simm.s32 @!p1 $0x0  }
0x14: {  	s2 =	sld [smem:$0x3F8F];
	s0 =	simm.s32 @p1 $0x1  }
0x15: {  	[smem:$0x3FAC] =	sst s0;
	s0 =	simm.s32 @!p2 $0x0  }
0x16: {  	s3 =	sld [smem:$0x3FDB];
	s0 =	simm.s32 @p2 $0x1  }
0x17: {  	s4 =	simm.s32 $0x1BF5;
	[smem:$0x3FAE] =	sst s0  }
0x18: {  	s0 =	sld [smem:$0x3F91];
	_ =	swait.ge [sflag:s4], $0x0  }
0x19: {  	s7 =	sld [smem:$0x3F92]  }
0x1a: {  	s8 =	sadd.s32 $0xFFFFE003, lr  }
0x1b: {  	s9 =	sadd.s32 $0xFFFFFEF7, lr;
	s5 =	simm.s32 $0xFFFFFFFF;
	p2 =	slt.u32 s8, $0xFFFFF086  }
0x1c: {  	p1 =	slt.u32 s9, $0xF7A;
	s5 =	simm.s32 @!p2 $0x0  }
0x1d: {  	s5 =	simm.s32 @p1 $0x1;
	p0 =	seq.s32 s7, s2  }
0x1e: {  	s7 =	smul.u32 @!p0 $0xF7A, s2;
	p2 =	seq.s32 @!p0 s5, $0x0  }
0x1f: {  	s9 =	smul.u32 $0xF7A, s1;
	s8 =	simm.s32 @!p0 $0x1BF5;
	p2 =	por !p2, p0  }
0x20: {  	[sflag:s8] =	ssyncset.s32 @!p0 $0xFFFFF086;
	s6 =	sadd.s32 @!p0 s3, s7;
	s7 =	simm.s32 @!p0 $0x108  }
0x21: {  	s3 =	sadd.s32 s3, s9;
	s6 =	sadd.s32 @!p0 $0x88, s6;
	s7 =	simm.s32 @p2 $0x1082  }
0x22: {  	[simem:s7], [sflag:s8] =	dma.local @!p0 [hbm:s6], $0xF7A  }
0x23: {  	s9 =	sor.u32 $0xD0000000, s2;
	s6 =	simm.s32 $0x108;
	_ =	swait.ge @!p0 [sflag:s8], $0x0  }
0x24: {  	s3 =	sadd.s32 $0x88, s3;
	s6 =	simm.s32 @!p1 $0x1082;
	[sflag:s4] =	ssyncset.s32 $0xFFFFF086  }
0x25: {  	[simem:s6], [sflag:s4] =	dma.local [hbm:s3], $0xF7A  }
0x26: {  	[smem:$0x3F92] =	sst s1;
	(tag) =	ssettag s2;
	_ =	strace s9  }
0x27: {  	s1 =	sld [smem:$0x3FA2]  }
0x28: {  	s2 =	sld [smem:$0x3FA3]  }
0x29: {  	s4 =	sld [smem:$0x3FA5]  }
0x2a: {  	p0 =	seq.s32 s5, $0x0;
	s5 =	sld [smem:$0x3FA6]  }
0x2b: {  	s6 =	sld [smem:$0x3FA7]  }
0x2c: {  	s7 =	sld [smem:$0x3FA8]  }
0x2d: {  	s3 =	simm.s32 $0x108;
	s8 =	sld [smem:$0x3FA9]  }
0x2e: {  	s3 =	simm.s32 @!p0 $0x1082;
	s9 =	sld [smem:$0x3FAA]  }
0x2f: {  	lr =	sadd.s32 s0, s3;
	s0 =	sld [smem:$0x3FA1]  }
0x30: {  	s3 =	sld [smem:$0x3FA4]  }
0x31: {  	[smem:$0x3FAD] =	sst s10  }
0x32: {  	s10 =	sld [smem:$0x3FAB];
	_ =	sdelay $0x3  }
0x33: {  	p0 =	seq.s32 s10, $0x1;
	s10 =	sld [smem:$0x3FAD];
	_ =	sdelay $0x3  }
0x34: {  	[smem:$0x3FAD] =	sst s10  }
0x35: {  	s10 =	sld [smem:$0x3FAC];
	_ =	sdelay $0x3  }
0x36: {  	p1 =	seq.s32 s10, $0x1;
	s10 =	sld [smem:$0x3FAD];
	_ =	sdelay $0x3  }
0x37: {  	[smem:$0x3FAD] =	sst s10  }
0x38: {  	s10 =	sld [smem:$0x3FAE]  }
0x39: {  	_ = 	snop;
	(pc) =	sbr.ind lr, $3  }
0x3a: {  	_ = 	snop  }
0x3b: {  	_ = 	snop  }
0x3c: {  	p2 =	seq.s32 s10, $0x1;
	s10 =	sld [smem:$0x3FAD]  }
0x3d: {  	_ =	shalt  }
0x3e: {  	_ =	shalt  }
0x3f: {  	_ =	shalt  }
0x40: {  	_ =	shalt  }
0x41: {  	_ =	shalt  }
0x42: {  	_ =	shalt  }
0x43: {  	_ =	shalt  }
0x44: {  	_ =	shalt  }
0x45: {  	_ =	shalt  }
0x46: {  	_ =	shalt  }
0x47: {  	_ =	shalt  }
0x48: {  	_ =	shalt  }
0x49: {  	_ =	shalt  }
0x4a: {  	_ =	shalt  }
0x4b: {  	_ =	shalt  }
0x4c: {  	_ =	shalt  }
0x4d: {  	_ =	shalt  }
0x4e: {  	_ =	shalt  }
0x4f: {  	_ =	shalt  }
0x50: {  	_ =	shalt  }
0x51: {  	_ =	shalt  }
0x52: {  	_ =	shalt  }
0x53: {  	_ =	shalt  }
0x54: {  	_ =	shalt  }
0x55: {  	_ =	shalt  }
0x56: {  	_ =	shalt  }
0x57: {  	_ =	shalt  }
0x58: {  	_ =	shalt  }
0x59: {  	_ =	shalt  }
0x5a: {  	_ =	shalt  }
0x5b: {  	_ =	shalt  }
0x5c: {  	_ =	shalt  }
0x5d: {  	_ =	shalt  }
0x5e: {  	_ =	shalt  }
0x5f: {  	_ =	shalt  }
0x60: {  	_ =	shalt  }
0x61: {  	_ =	shalt  }
0x62: {  	_ =	shalt  }
0x63: {  	_ =	shalt  }
0x64: {  	_ =	shalt  }
0x65: {  	_ =	shalt  }
0x66: {  	_ =	shalt  }
0x67: {  	_ =	shalt  }
0x68: {  	_ =	shalt  }
0x69: {  	_ =	shalt  }
0x6a: {  	_ =	shalt  }
0x6b: {  	_ =	shalt  }
0x6c: {  	_ =	shalt  }
0x6d: {  	_ =	shalt  }
0x6e: {  	_ =	shalt  }
0x6f: {  	_ =	shalt  }
0x70: {  	_ =	shalt  }
0x71: {  	_ =	shalt  }
0x72: {  	_ =	shalt  }
0x73: {  	_ =	shalt  }
0x74: {  	_ =	shalt  }
0x75: {  	_ =	shalt  }
0x76: {  	_ =	shalt  }
0x77: {  	_ =	shalt  }
0x78: {  	_ =	shalt  }
0x79: {  	_ =	shalt  }
0x7a: {  	_ =	shalt  }
0x7b: {  	_ =	shalt  }
0x7c: {  	_ =	shalt  }
0x7d: {  	_ =	shalt  }
0x7e: {  	_ =	shalt  }
0x7f: {  	_ =	shalt  }
0x80: {  	_ =	shalt  }
0x81: {  	_ =	shalt  }
0x82: {  	_ =	shalt  }
0x83: {  	_ =	shalt  }
0x84: {  	_ =	shalt  }
0x85: {  	_ =	shalt  }
0x86: {  	_ =	shalt  }
0x87: {  	_ =	shalt  }
.Lfunc_end0:
.L_simem_size_0:
called_computation_lowered:
.L_overlay_start_0:
0x88: {  	s2 =	sld [smem:$0x3FD9]  }
0x89: {  	s3 =	sld [smem:$0x3FFE];
	_ =	sdelay $0x1  }
0x8a: {  	s1 =	srdreg.scid  }
0x8b: {  	s0 =	sand.u32 $0x1, s1  }
0x8c: {  	s16 =	sshll.u32 s0, $0xA;
	s2 =	sadd.s32 s3, s2  }
0x8d: {  	s2 =	sadd.s32 s2, s16  }
0x8e: {  	[smem:$0x3FB9] =	sst s2  }
0x8f: {  	_ = 	snop  }
0x90: {  	(tm) =	ssettm $0x1  }
0x91: {  	s17 =	sld [smem:$0x3FFB];
	_ =	sdelay $0x3  }
0x92: {  	_ =	strace s17  }
0x93: {  	s2 =	sld [smem:$0x3FFC];
	_ =	sdelay $0x3  }
0x94: {  	_ =	strace s2  }
0x95: {  	s2 =	sld [smem:$0x3FFD];
	_ =	sdelay $0x3  }
0x96: {  	_ =	strace s2  }
0x97: {  	_ =	strace $0x8FFFFFFF  }
0x98: {  	s18 =	sld [smem:$0x3FDB];
	_ =	sdelay $0x1  }
0x99: {  	s19 =	simm.s32 $_scs_section_size  }
0x9a: {  	s4 =	simm.s32 $_size__tile_overlayer_lowered;
	s5 =	simm.s32 $_tile_overlayer_lowered  }
0x9b: {  	s22 =	simm.s32 $0x1BFF;
	s21 =	sshll.u32 s5, $0x1;
	s2 =	sadd.s32 s19, s18  }
0x9c: {  	s6 =	simm.s32 $0x0;
	s20 =	sshll.u32 s4, $0x1;
	s4 =	sadd.s32 s21, s2  }
0x9d: {  	[timem:s6], [sflag:s22] =	dma.local [hbm:s4], s20  }
0x9e: {  	_ =	swait.ge [sflag:s22], s20  }
0x9f: {  	s3 =	ssub.s32 $0x0, s20;
	[sflag:s22] =	ssyncset.done $0x0  }
0xa0: {  	[sflag:s22] =	ssyncadd.s32 s3;
	_ =	sdelay $0x1  }
0xa1: {  	s23 =	simm.s32 $0x1B8B  }
0xa2: {  	_ =	swait.ge [sflag:s23], $0x1  }
0xa3: {  	[sflag:s23] =	ssyncset.done $0x0  }
0xa4: {  	s25 =	simm.s32 $0x1B8E;
	s24 =	sld [smem:$0x3FFE];
	[sflag:s23] =	ssyncadd.s32 $0xFFFFFFFF  }
0xa5: {  	s26 =	simm.s32 $execute0_lowered;
	[smem:$0x3FD2] =	sst s25  }
0xa6: {  	s4 =	sshll.u32 s26, $0x1;
	_ =	strace $0x80000046;
	[dreg:$0x1] =	wrdreg $0xFFFFFFFF  }
0xa7: {  	s28 =	simm.s32 $_size_execute0_lowered;
	s2 =	sadd.s32 s2, s4;
	[dreg:$0x0] =	wrdreg $0x0  }
0xa8: {  	s4 =	sshll.u32 s28, $0x1;
	[dreg:$0x2] =	wrdreg s2  }
0xa9: {  	[dreg:$0x3] =	wrdreg s4  }
0xaa: {  	[dreg:$0x4] =	wrdreg $0xC0  }
0xab: {  	_ =	task [dreg:s6], $0x5FFFF  }
0xac: {  	[dreg:$0x1] =	wrdreg $0xFFFFFFFF  }
0xad: {  	[dreg:$0x0] =	wrdreg $0x60  }
0xae: {  	[dreg:$0x2] =	wrdreg s24  }
0xaf: {  	[dreg:$0x3] =	wrdreg $0x9  }
0xb0: {  	_ =	task.clear_ibuf [dreg:s6], $0x4FFFF;
	_ =	strace $0x90000046  }
0xb1: {  	s29 =	simm.s32 $0x9;
	_ =	strace $0x80000048  }
0xb2: {  	_ =	swait.ge [sflag:s29], $0x1  }
0xb3: {  	[sflag:s29] =	ssyncadd.s32 $0xFFFFFFFF  }
0xb4: {  	_ =	strace $0x90000048  }
0xb5: {  	_ =	sfence  }
0xb6: {  	s30 =	sld [smem:$0x0];
	_ =	sdelay $0x2  }
0xb7: {  	s31 =	sshll.u32 s1, $0xD;
	s1 =	sshrl.u32 s1, $0x2  }
0xb8: {  	s3 =	sand.u32 $0x4000, s31;
	s1 =	sadd.s32 s1, s30  }
0xb9: {  	s0 =	sor.u32 s3, s0;
	s1 =	sshll.u32 s1, $0x11  }
0xba: {  	s0 =	sor.u32 s1, s0  }
0xbb: {  	s0 =	sadd.s32 $0x8F2B, s0  }
0xbc: {  	[sflag:s0] =	ssyncadd.remote.s32 $0x1  }
0xbd: {  	_ =	sfence.sel $0xFFFF  }
0xbe: {  	[dreg:$0x0] =	wrdreg $0xFFFFFFFF;
	(pc) =	sbr.abs _section_cstart, $3  }
0xbf: {  	[dreg:$0x1] =	wrdreg $0xFFFFFFFF  }
0xc0: {  	_ =	task.clear_ibuf [dreg:s6], $0x2FFFF;
	_ =	strace $0x9FFFFFFF  }
0xc1: {  	(tm) =	ssettm $0x7FFFFFFF  }
tec
execute0_lowered:
.L_overlay_start_1:
0x0: {  	(tag) =	ssettag $0x1  }
0x1: {  	s5 =	rddreg [dreg:$0x0]  }
0x2: {  	s0 =	rddreg [dreg:$0x1];
	s2 =	simm.s32 $0x0;
	s3 =	srdreg.scid  }
0x3: {  	s1 =	stileid.u32;
	s10 =	simm.s32 $0x200;
	s11 =	simm.s32 $0x2000  }
0x4: {  	s12 =	simm.s32 $0x400;
	s13 =	simm.s32 $0x4400;
	s14 =	simm.s32 $0x2400  }
0x5: {  	s15 =	simm.s32 $0x6400;
	s16 =	simm.s32 $0x1;
	s17 =	simm.s32 $0x8400  }
0x6: {  	s18 =	simm.s32 $0x0;
	[smem:$0x7FF] =	sst s2;
	s4 =	sand.u32 $0x1, s3  }
0x7: {  	s6 =	sshll.u32 s1, $0x7;
	s3 =	sadd.s32 $0x202000, s5;
	s7 =	sshll.u32 s4, $0x6  }
0x8: {  	_ =	strace $0x80000047;
	s30 =	ssub.s32 $0x2, s4;
	s6 =	sor.u32 s7, s6  }
0x9: {  	s4 =	sadd.s32 $0x2000, s5;
	s31 =	sshrl.u32 s30, $0x1;
	s8 =	sadd.s32 s6, s5  }
0xa: {  	s9 =	ssub.s32 s30, s31;
	s5 =	sadd.s32 $0x1800, s8;
	s6 =	sadd.s32 $0x1000, s8  }
0xb: {  	s7 =	sadd.s32 $0x402000, s8;
	s8 =	smax.u32 s9, $0x1;
	s9 =	simm.s32 $0x2  }
.LBB2_1:
0xc: {  	[tilespmem:s2], [sflag:$0x2] =	stream.linear.gather [hbm4b:s5+s2], $0x200, $0x38;
	[tilespmem:$0x8600] =	vst v63  }
0xd: {  	_ =	swait.ge [sflag:s9], $0x200  }
0xe: {  	[sflag:s9] =	ssyncset.done $0x0  }
0xf: {  	[sflag:s9] =	ssyncadd.s32 $0xFFFFFE00  }
0x10: {  	[tilespmem:s10], [sflag:$0x2] =	stream.linear.gather [hbm4b:s6+s2], $0x200, $0x38;
	[tilespmem:$0x8600] =	vst v63  }
0x11: {  	_ =	swait.ge [sflag:s9], $0x200  }
0x12: {  	[sflag:s9] =	ssyncset.done $0x0  }
0x13: {  	s19 =	simm.s32 $0x0;
	[sflag:s9] =	ssyncadd.s32 $0xFFFFFE00  }
0x14: {  	v0 =	vld [tilespmem:s19+$0x200]  }
0x15: {  	v1 =	vld [tilespmem:s19+$0x0];
	_ =	sdelay $0x3  }
0x16: {  	v2 =	vadd.s32 $0xFFFFFFFF, v0  }
0x17: {  	v3 =	vadd.s32 $0xFFFFFFFF, v1;
	v0 =	vadd.s32 $0xF423F, v0;
	vm0 =	vlt.s32 v2, $0x0  }
0x18: {  	v1 =	vadd.s32 $0xF423F, v1;
	vm1 =	vlt.s32 v3, $0x0;
	v0 =	vsel vm0, v0, v2  }
0x19: {  	v1 =	vsel vm1, v1, v3;
	v2 =	vshll.u32 v0, $0x4  }
0x1a: {  	v3 =	vshll.u32 v1, $0x4;
	v0 =	vand.u32 $0xFFFF, v0;
	v2 =	vand.u32 $0xFFF00000, v2  }
0x1b: {  	v1 =	vand.u32 $0xFFFF, v1;
	v3 =	vand.u32 $0xFFF00000, v3;
	v2 =	vor.u32 v0, v2  }
0x1c: {  	v0 =	vor.u32 v1, v3;
	[tilespmem:s19+$0x2400] =	vst v2;
	v1 =	vor.u32 $0xF0000, v2  }
0x1d: {  	v3 =	vor.u32 $0x10000, v0;
	[tilespmem:s19+$0x4200] =	vst v1  }
0x1e: {  	v4 =	vor.u32 $0x90000, v0;
	[tilespmem:s19+$0x600] =	vst v3  }
0x1f: {  	v11 =	vor.u32 $0xA0000, v0;
	[tilespmem:s19+$0x1600] =	vst v4  }
0x20: {  	v1 =	vor.u32 $0x10000, v2;
	[tilespmem:s19+$0x1800] =	vst v11  }
0x21: {  	v3 =	vor.u32 $0x20000, v0;
	[tilespmem:s19+$0x2600] =	vst v1  }
0x22: {  	v1 =	vor.u32 $0x20000, v2;
	[tilespmem:s19+$0x800] =	vst v3  }
0x23: {  	v3 =	vor.u32 $0x30000, v0;
	[tilespmem:s19+$0x2800] =	vst v1  }
0x24: {  	v1 =	vor.u32 $0x30000, v2;
	[tilespmem:s19+$0xA00] =	vst v3  }
0x25: {  	v3 =	vor.u32 $0x40000, v0;
	[tilespmem:s19+$0x2A00] =	vst v1  }
0x26: {  	v1 =	vor.u32 $0x40000, v2;
	[tilespmem:s19+$0xC00] =	vst v3  }
0x27: {  	v3 =	vor.u32 $0x50000, v0;
	[tilespmem:s19+$0x2C00] =	vst v1  }
0x28: {  	v1 =	vor.u32 $0x50000, v2;
	[tilespmem:s19+$0xE00] =	vst v3  }
0x29: {  	v3 =	vor.u32 $0x60000, v0;
	[tilespmem:s19+$0x2E00] =	vst v1  }
0x2a: {  	v1 =	vor.u32 $0x60000, v2;
	[tilespmem:s19+$0x1000] =	vst v3  }
0x2b: {  	v3 =	vor.u32 $0x70000, v0;
	[tilespmem:s19+$0x3000] =	vst v1  }
0x2c: {  	v10 =	vor.u32 $0xA0000, v2;
	v1 =	vor.u32 $0x70000, v2;
	[tilespmem:s19+$0x1200] =	vst v3  }
0x2d: {  	v7 =	vor.u32 $0xB0000, v0;
	v6 =	vor.u32 $0xB0000, v2;
	v3 =	vor.u32 $0x80000, v0;
	[tilespmem:s19+$0x3200] =	vst v1  }
0x2e: {  	v8 =	vor.u32 $0xC0000, v0;
	v9 =	vor.u32 $0xC0000, v2;
	v1 =	vor.u32 $0x80000, v2;
	[tilespmem:s19+$0x1400] =	vst v3  }
0x2f: {  	v5 =	vor.u32 $0xD0000, v0;
	v4 =	vor.u32 $0xD0000, v2;
	v3 =	vor.u32 $0x90000, v2;
	[tilespmem:s19+$0x3400] =	vst v1  }
0x30: {  	s20 =	simm.s32 $0x10;
	s21 =	simm.s32 $0x80;
	v2 =	vor.u32 $0xE0000, v2;
	[tilespmem:s19+$0x3600] =	vst v3;
	v3 =	vor.u32 $0xE0000, v0;
	v1 =	vor.u32 $0xF0000, v0  }
.LBB2_2:
0x31: {  	p0 =	sne.s32 s21, $0x7C0;
	v11 =	vld [tilespmem:s20+$0x200];
	[tilespmem:s19+$0x3800] =	vst v10  }
0x32: {  	v10 =	vld [tilespmem:s20+$0x0];
	[tilespmem:s19+$0x1A00] =	vst v7  }
0x33: {  	[tilespmem:s19+$0x3A00] =	vst v6  }
0x34: {  	[tilespmem:s19+$0x1C00] =	vst v8  }
0x35: {  	[tilespmem:s19+$0x3C00] =	vst v9  }
0x36: {  	v6 =	vadd.s32 $0xFFFFFFFF, v11;
	[tilespmem:s19+$0x1E00] =	vst v5  }
0x37: {  	v7 =	vadd.s32 $0xF423F, v11;
	v5 =	vadd.s32 $0xFFFFFFFF, v10;
	vm0 =	vlt.s32 v6, $0x0;
	[tilespmem:s19+$0x3E00] =	vst v4  }
0x38: {  	v4 =	vadd.s32 $0xF423F, v10;
	vm1 =	vlt.s32 v5, $0x0;
	v6 =	vsel vm0, v7, v6;
	[tilespmem:s19+$0x2000] =	vst v3  }
0x39: {  	v3 =	vsel vm1, v4, v5;
	v4 =	vshll.u32 v6, $0x4;
	[tilespmem:s19+$0x4000] =	vst v2  }
0x3a: {  	v5 =	vand.u32 $0xFFFF, v6;
	v2 =	vshll.u32 v3, $0x4;
	v4 =	vand.u32 $0xFFF00000, v4;
	[tilespmem:s19+$0x2200] =	vst v1  }
0x3b: {  	v1 =	vand.u32 $0xFFF00000, v2;
	v2 =	vand.u32 $0xFFFF, v3;
	v11 =	vor.u32 v5, v4;
	[tilespmem:s19+$0x400] =	vst v0;
	s19 =	smov.u32 s20  }
0x3c: {  	v0 =	vor.u32 v2, v1;
	[tilespmem:s19+$0x2400] =	vst v11;
	v1 =	vor.u32 $0x10000, v11;
	v2 =	vor.u32 $0xF0000, v11  }
0x3d: {  	v5 =	vor.u32 $0x20000, v11;
	v3 =	vor.u32 $0x10000, v0;
	v4 =	vor.u32 $0x20000, v0;
	[tilespmem:s19+$0x4200] =	vst v2  }
0x3e: {  	v2 =	vor.u32 $0x30000, v0;
	v8 =	vor.u32 $0x40000, v0;
	[tilespmem:s19+$0x600] =	vst v3;
	v3 =	vor.u32 $0x30000, v11  }
0x3f: {  	v13 =	vor.u32 $0x50000, v11;
	v12 =	vor.u32 $0x50000, v0;
	[tilespmem:s19+$0x2600] =	vst v1;
	v1 =	vor.u32 $0x40000, v11  }
0x40: {  	v15 =	vor.u32 $0x60000, v11;
	v14 =	vor.u32 $0x60000, v0;
	v16 =	vor.u32 $0x70000, v0;
	[tilespmem:s19+$0x800] =	vst v4  }
0x41: {  	v17 =	vor.u32 $0x70000, v11;
	v19 =	vor.u32 $0x80000, v11;
	v18 =	vor.u32 $0x80000, v0;
	[tilespmem:s19+$0x2800] =	vst v5  }
0x42: {  	v21 =	vor.u32 $0x90000, v11;
	v20 =	vor.u32 $0x90000, v0;
	v22 =	vor.u32 $0xA0000, v0;
	[tilespmem:s19+$0xA00] =	vst v2  }
0x43: {  	v10 =	vor.u32 $0xA0000, v11;
	v6 =	vor.u32 $0xB0000, v11;
	v7 =	vor.u32 $0xB0000, v0;
	[tilespmem:s19+$0x2A00] =	vst v3  }
0x44: {  	v9 =	vor.u32 $0xC0000, v11;
	v5 =	vor.u32 $0xD0000, v0;
	[tilespmem:s19+$0xC00] =	vst v8;
	v8 =	vor.u32 $0xC0000, v0  }
0x45: {  	v4 =	vor.u32 $0xD0000, v11;
	v2 =	vor.u32 $0xE0000, v11;
	v3 =	vor.u32 $0xE0000, v0;
	[tilespmem:s19+$0x2C00] =	vst v1  }
0x46: {  	v1 =	vor.u32 $0xF0000, v0;
	[tilespmem:s19+$0xE00] =	vst v12  }
0x47: {  	[tilespmem:s19+$0x2E00] =	vst v13  }
0x48: {  	[tilespmem:s19+$0x1000] =	vst v14  }
0x49: {  	[tilespmem:s19+$0x3000] =	vst v15  }
0x4a: {  	[tilespmem:s19+$0x1200] =	vst v16  }
0x4b: {  	[tilespmem:s19+$0x3200] =	vst v17  }
.Ltmp0:
0x4c: {  	[tilespmem:s19+$0x1400] =	vst v18;
	(pc) =	sbr.rel @p0 .LBB2_2-.Ltmp0, $4  }
0x4d: {  	[tilespmem:s19+$0x3400] =	vst v19  }
0x4e: {  	[tilespmem:s19+$0x1600] =	vst v20  }
0x4f: {  	[tilespmem:s19+$0x3600] =	vst v21  }
0x50: {  	s20 =	sshra.s32 s21, $0x2;
	s21 =	sadd.s32 $0x40, s21;
	[tilespmem:s19+$0x1800] =	vst v22  }
0x51: {  	v11 =	vld [tilespmem:s20+$0x200];
	[tilespmem:s19+$0x3800] =	vst v10  }
0x52: {  	v10 =	vld [tilespmem:s20+$0x0];
	[tilespmem:s19+$0x1A00] =	vst v7  }
0x53: {  	[tilespmem:s19+$0x3A00] =	vst v6  }
0x54: {  	[tilespmem:s19+$0x1C00] =	vst v8  }
0x55: {  	[tilespmem:s19+$0x3C00] =	vst v9  }
0x56: {  	[tilespmem:s19+$0x1E00] =	vst v5;
	v6 =	vadd.s32 $0xFFFFFFFF, v11  }
0x57: {  	[tilespmem:s19+$0x3E00] =	vst v4;
	v7 =	vadd.s32 $0xF423F, v11;
	v5 =	vadd.s32 $0xFFFFFFFF, v10;
	vm0 =	vlt.s32 v6, $0x0  }
0x58: {  	[tilespmem:s19+$0x2000] =	vst v3;
	v4 =	vadd.s32 $0xF423F, v10;
	vm1 =	vlt.s32 v5, $0x0;
	v6 =	vsel vm0, v7, v6  }
0x59: {  	[tilespmem:s19+$0x4000] =	vst v2;
	v3 =	vsel vm1, v4, v5;
	v4 =	vshll.u32 v6, $0x4  }
0x5a: {  	[tilespmem:s19+$0x2200] =	vst v1;
	v5 =	vand.u32 $0xFFFF, v6;
	v2 =	vshll.u32 v3, $0x4;
	v4 =	vand.u32 $0xFFF00000, v4  }
0x5b: {  	[tilespmem:s19+$0x400] =	vst v0;
	v1 =	vand.u32 $0xFFF00000, v2;
	v2 =	vand.u32 $0xFFFF, v3;
	v3 =	vor.u32 v5, v4  }
0x5c: {  	v0 =	vor.u32 v2, v1;
	[tilespmem:s20+$0x2400] =	vst v3;
	v1 =	vor.u32 $0xF0000, v3  }
0x5d: {  	[tilespmem:s20+$0x4200] =	vst v1  }
0x5e: {  	v2 =	vor.u32 $0x10000, v0;
	[tilespmem:s20+$0x400] =	vst v0  }
0x5f: {  	v1 =	vor.u32 $0x10000, v3;
	[tilespmem:s20+$0x600] =	vst v2  }
0x60: {  	v2 =	vor.u32 $0x20000, v0;
	[tilespmem:s20+$0x2600] =	vst v1  }
0x61: {  	v1 =	vor.u32 $0x20000, v3;
	[tilespmem:s20+$0x800] =	vst v2  }
0x62: {  	v2 =	vor.u32 $0x30000, v0;
	[tilespmem:s20+$0x2800] =	vst v1  }
0x63: {  	v1 =	vor.u32 $0x30000, v3;
	[tilespmem:s20+$0xA00] =	vst v2  }
0x64: {  	v2 =	vor.u32 $0x40000, v0;
	[tilespmem:s20+$0x2A00] =	vst v1  }
0x65: {  	v1 =	vor.u32 $0x40000, v3;
	[tilespmem:s20+$0xC00] =	vst v2  }
0x66: {  	v2 =	vor.u32 $0x50000, v0;
	[tilespmem:s20+$0x2C00] =	vst v1  }
0x67: {  	v1 =	vor.u32 $0x50000, v3;
	[tilespmem:s20+$0xE00] =	vst v2  }
0x68: {  	v2 =	vor.u32 $0x60000, v0;
	[tilespmem:s20+$0x2E00] =	vst v1  }
0x69: {  	v1 =	vor.u32 $0x60000, v3;
	[tilespmem:s20+$0x1000] =	vst v2  }
0x6a: {  	v2 =	vor.u32 $0x70000, v0;
	[tilespmem:s20+$0x3000] =	vst v1  }
0x6b: {  	v1 =	vor.u32 $0x70000, v3;
	[tilespmem:s20+$0x1200] =	vst v2  }
0x6c: {  	v2 =	vor.u32 $0x80000, v0;
	[tilespmem:s20+$0x3200] =	vst v1  }
0x6d: {  	v1 =	vor.u32 $0x80000, v3;
	[tilespmem:s20+$0x1400] =	vst v2  }
0x6e: {  	v2 =	vor.u32 $0x90000, v0;
	[tilespmem:s20+$0x3400] =	vst v1  }
0x6f: {  	v1 =	vor.u32 $0x90000, v3;
	[tilespmem:s20+$0x1600] =	vst v2  }
0x70: {  	v2 =	vor.u32 $0xA0000, v0;
	[tilespmem:s20+$0x3600] =	vst v1  }
0x71: {  	v1 =	vor.u32 $0xA0000, v3;
	[tilespmem:s20+$0x1800] =	vst v2  }
0x72: {  	v2 =	vor.u32 $0xB0000, v0;
	[tilespmem:s20+$0x3800] =	vst v1  }
0x73: {  	v1 =	vor.u32 $0xB0000, v3;
	[tilespmem:s20+$0x1A00] =	vst v2  }
0x74: {  	v2 =	vor.u32 $0xC0000, v0;
	[tilespmem:s20+$0x3A00] =	vst v1  }
0x75: {  	v1 =	vor.u32 $0xC0000, v3;
	[tilespmem:s20+$0x1C00] =	vst v2  }
0x76: {  	v2 =	vor.u32 $0xD0000, v0;
	[tilespmem:s20+$0x3C00] =	vst v1  }
0x77: {  	v1 =	vor.u32 $0xD0000, v3;
	[tilespmem:s20+$0x1E00] =	vst v2  }
0x78: {  	v2 =	vor.u32 $0xE0000, v0;
	[tilespmem:s20+$0x3E00] =	vst v1  }
0x79: {  	v1 =	vor.u32 $0xE0000, v3;
	[tilespmem:s20+$0x2000] =	vst v2  }
0x7a: {  	v2 =	vor.u32 $0xF0000, v0;
	[tilespmem:s20+$0x4000] =	vst v1  }
0x7b: {  	[tilespmem:s20+$0x2200] =	vst v2  }
0x7c: {  	[tilespmem:s13], [sflag:$0x1] =	stream.indirect.gather [hbm4b:s3+s11], $0x1, s12, s11, $0xb8;
	[tilespmem:$0x8600] =	vst v63  }
0x7d: {  	_ = 	snop  }
0x7e: {  	[tilespmem:s15], [sflag:$0x1] =	stream.indirect.gather [hbm4b:s4+s11], $0x1, s14, s11, $0xb8;
	[tilespmem:$0x8600] =	vst v63  }
0x7f: {  	_ =	swait.ge [sflag:s16], $0x2000  }
0x80: {  	[sflag:s16] =	ssyncset.done $0x0  }
0x81: {  	[sflag:s16] =	ssyncadd.s32 $0xFFFFE000  }
0x82: {  	_ =	swait.ge [sflag:s16], $0x2000  }
0x83: {  	[sflag:s16] =	ssyncset.done $0x0  }
0x84: {  	s19 =	simm.s32 $0x0;
	[sflag:s16] =	ssyncadd.s32 $0xFFFFE000  }
0x85: {  	v0 =	vld [tilespmem:s19+$0x4400]  }
0x86: {  	v1 =	vld [tilespmem:s19+$0x6400]  }
0x87: {  	v2 =	vld [tilespmem:s19+$0x4600]  }
0x88: {  	v3 =	vld [tilespmem:s19+$0x6600]  }
0x89: {  	v4 =	vld [tilespmem:s19+$0x4800]  }
0x8a: {  	v5 =	vld [tilespmem:s19+$0x6800]  }
0x8b: {  	v6 =	vld [tilespmem:s19+$0x6A00];
	v0 =	vmul.f32 v1, v0  }
0x8c: {  	v1 =	vld [tilespmem:s19+$0x4A00]  }
0x8d: {  	v7 =	vld [tilespmem:s19+$0x6C00];
	v2 =	vmul.f32 v3, v2;
	v0 =	vadd.f32 $0.0e+00, v0  }
0x8e: {  	v3 =	vld [tilespmem:s19+$0x4C00]  }
0x8f: {  	v0 =	vadd.f32 v2, v0;
	v2 =	vmul.f32 v5, v4;
	v4 =	vld [tilespmem:s19+$0x4E00]  }
0x90: {  	v5 =	vld [tilespmem:s19+$0x6E00]  }
0x91: {  	v1 =	vmul.f32 v6, v1;
	v6 =	vld [tilespmem:s19+$0x7000];
	v0 =	vadd.f32 v2, v0  }
0x92: {  	v2 =	vld [tilespmem:s19+$0x5000]  }
0x93: {  	v0 =	vadd.f32 v1, v0;
	v1 =	vmul.f32 v7, v3;
	v3 =	vld [tilespmem:s19+$0x5200]  }
0x94: {  	v7 =	vld [tilespmem:s19+$0x7200]  }
0x95: {  	v0 =	vadd.f32 v1, v0;
	v1 =	vmul.f32 v5, v4;
	v4 =	vld [tilespmem:s19+$0x5400]  }
0x96: {  	v5 =	vld [tilespmem:s19+$0x7400]  }
0x97: {  	v0 =	vadd.f32 v1, v0;
	v1 =	vmul.f32 v6, v2;
	v2 =	vld [tilespmem:s19+$0x5600]  }
0x98: {  	v6 =	vld [tilespmem:s19+$0x7600]  }
0x99: {  	v0 =	vadd.f32 v1, v0;
	v1 =	vmul.f32 v7, v3;
	v3 =	vld [tilespmem:s19+$0x5800]  }
0x9a: {  	v7 =	vld [tilespmem:s19+$0x7800]  }
0x9b: {  	v0 =	vadd.f32 v1, v0;
	v1 =	vmul.f32 v5, v4;
	v4 =	vld [tilespmem:s19+$0x5A00]  }
0x9c: {  	v5 =	vld [tilespmem:s19+$0x7A00]  }
0x9d: {  	v0 =	vadd.f32 v1, v0;
	v1 =	vmul.f32 v6, v2;
	v2 =	vld [tilespmem:s19+$0x5C00]  }
0x9e: {  	v6 =	vld [tilespmem:s19+$0x7C00]  }
0x9f: {  	v8 =	vld [tilespmem:s19+$0x7E00];
	v0 =	vadd.f32 v1, v0;
	v1 =	vmul.f32 v7, v3  }
0xa0: {  	v7 =	vld [tilespmem:s19+$0x5E00]  }
0xa1: {  	v3 =	vld [tilespmem:s19+$0x8000];
	v4 =	vmul.f32 v5, v4;
	v1 =	vadd.f32 v1, v0  }
0xa2: {  	v0 =	vld [tilespmem:s19+$0x6000]  }
0xa3: {  	v6 =	vmul.f32 v6, v2;
	v5 =	vadd.f32 v4, v1;
	v1 =	vld [tilespmem:s19+$0x6200]  }
0xa4: {  	s20 =	simm.s32 $0x10;
	v4 =	vld [tilespmem:s19+$0x8200]  }
0xa5: {  	s21 =	simm.s32 $0x80;
	v2 =	vld [tilespmem:s20+$0x4400];
	v5 =	vadd.f32 v6, v5;
	v6 =	vmul.f32 v8, v7  }
.LBB2_4:
0xa6: {  	p0 =	sne.s32 s21, $0x7C0;
	v7 =	vld [tilespmem:s20+$0x6400]  }
0xa7: {  	v8 =	vld [tilespmem:s20+$0x4600];
	v5 =	vadd.f32 v6, v5;
	v0 =	vmul.f32 v3, v0  }
0xa8: {  	v3 =	vld [tilespmem:s20+$0x6600]  }
0xa9: {  	v6 =	vld [tilespmem:s20+$0x4800];
	v0 =	vadd.f32 v0, v5;
	v1 =	vmul.f32 v4, v1  }
0xaa: {  	v4 =	vld [tilespmem:s20+$0x6800]  }
0xab: {  	v2 =	vmul.f32 v7, v2;
	v5 =	vld [tilespmem:s20+$0x4A00];
	v0 =	vadd.f32 v1, v0  }
0xac: {  	v1 =	vld [tilespmem:s20+$0x6A00]  }
0xad: {  	v2 =	vadd.f32 $0.0e+00, v2;
	v3 =	vmul.f32 v3, v8;
	v7 =	vld [tilespmem:s20+$0x4C00];
	v0 =	vmul.f32 $8.000000110e-01, v0  }
0xae: {  	v8 =	vld [tilespmem:s20+$0x6C00]  }
0xaf: {  	v2 =	vadd.f32 v3, v2;
	v3 =	vmul.f32 v4, v6;
	v4 =	vld [tilespmem:s20+$0x4E00];
	[tilespmem:s19+$0x8400] =	vst v0;
	s19 =	smov.u32 s20  }
0xb0: {  	v0 =	vld [tilespmem:s19+$0x6E00]  }
0xb1: {  	v2 =	vadd.f32 v3, v2;
	v1 =	vmul.f32 v1, v5;
	v3 =	vld [tilespmem:s19+$0x5000]  }
0xb2: {  	v5 =	vld [tilespmem:s19+$0x7000]  }
0xb3: {  	v1 =	vadd.f32 v1, v2;
	v2 =	vmul.f32 v8, v7;
	v6 =	vld [tilespmem:s19+$0x5200]  }
0xb4: {  	v7 =	vld [tilespmem:s19+$0x7200]  }
0xb5: {  	v1 =	vadd.f32 v2, v1;
	v0 =	vmul.f32 v0, v4;
	v2 =	vld [tilespmem:s19+$0x5400]  }
0xb6: {  	v4 =	vld [tilespmem:s19+$0x7400]  }
0xb7: {  	v0 =	vadd.f32 v0, v1;
	v1 =	vmul.f32 v5, v3;
	v3 =	vld [tilespmem:s19+$0x5600]  }
0xb8: {  	v5 =	vld [tilespmem:s19+$0x7600]  }
0xb9: {  	v0 =	vadd.f32 v1, v0;
	v1 =	vmul.f32 v7, v6;
	v6 =	vld [tilespmem:s19+$0x5800]  }
0xba: {  	v7 =	vld [tilespmem:s19+$0x7800]  }
0xbb: {  	v0 =	vadd.f32 v1, v0;
	v1 =	vmul.f32 v4, v2;
	v2 =	vld [tilespmem:s19+$0x5A00]  }
0xbc: {  	v4 =	vld [tilespmem:s19+$0x7A00]  }
0xbd: {  	v0 =	vadd.f32 v1, v0;
	v1 =	vmul.f32 v5, v3;
	v5 =	vld [tilespmem:s19+$0x5C00]  }
0xbe: {  	v8 =	vld [tilespmem:s19+$0x7C00]  }
0xbf: {  	v0 =	vadd.f32 v1, v0;
	v1 =	vmul.f32 v7, v6;
	v6 =	vld [tilespmem:s19+$0x5E00]  }
0xc0: {  	v7 =	vld [tilespmem:s19+$0x7E00]  }
.Ltmp1:
0xc1: {  	v1 =	vadd.f32 v1, v0;
	v2 =	vmul.f32 v4, v2;
	v0 =	vld [tilespmem:s19+$0x6000];
	(pc) =	sbr.rel @p0 .LBB2_4-.Ltmp1, $4  }
0xc2: {  	v3 =	vld [tilespmem:s19+$0x8000]  }
0xc3: {  	v9 =	vadd.f32 v2, v1;
	v5 =	vmul.f32 v8, v5;
	v1 =	vld [tilespmem:s19+$0x6200]  }
0xc4: {  	s20 =	sshra.s32 s21, $0x2;
	v4 =	vld [tilespmem:s19+$0x8200]  }
0xc5: {  	s21 =	sadd.s32 $0x40, s21;
	v2 =	vld [tilespmem:s20+$0x4400];
	v5 =	vadd.f32 v5, v9;
	v6 =	vmul.f32 v7, v6  }
0xc6: {  	v7 =	vld [tilespmem:s20+$0x6400]  }
0xc7: {  	v8 =	vld [tilespmem:s20+$0x4600];
	v5 =	vadd.f32 v6, v5;
	v0 =	vmul.f32 v3, v0  }
0xc8: {  	v25 =	vld [tilespmem:s20+$0x6600]  }
0xc9: {  	v26 =	vld [tilespmem:s20+$0x4800];
	v0 =	vadd.f32 v0, v5;
	v1 =	vmul.f32 v4, v1  }
0xca: {  	v27 =	vld [tilespmem:s20+$0x6800]  }
0xcb: {  	v28 =	vld [tilespmem:s20+$0x4A00];
	v2 =	vmul.f32 v7, v2;
	v0 =	vadd.f32 v1, v0  }
0xcc: {  	v29 =	vld [tilespmem:s20+$0x6A00]  }
0xcd: {  	v30 =	vld [tilespmem:s20+$0x4C00];
	v3 =	vmul.f32 v25, v8;
	v2 =	vadd.f32 $0.0e+00, v2;
	v0 =	vmul.f32 $8.000000110e-01, v0  }
0xce: {  	v31 =	vld [tilespmem:s20+$0x6C00]  }
0xcf: {  	v9 =	vld [tilespmem:s20+$0x4E00];
	v32 =	vmul.f32 v27, v26;
	v2 =	vadd.f32 v3, v2;
	[tilespmem:s19+$0x8400] =	vst v0  }
0xd0: {  	v0 =	vld [tilespmem:s20+$0x6E00]  }
0xd1: {  	v1 =	vmul.f32 v29, v28;
	v33 =	vld [tilespmem:s20+$0x5000];
	v2 =	vadd.f32 v32, v2  }
0xd2: {  	v34 =	vld [tilespmem:s20+$0x7000]  }
0xd3: {  	v35 =	vmul.f32 v31, v30;
	v36 =	vld [tilespmem:s20+$0x5200];
	v1 =	vadd.f32 v1, v2  }
0xd4: {  	v37 =	vld [tilespmem:s20+$0x7200]  }
0xd5: {  	v38 =	vld [tilespmem:s20+$0x5400];
	v1 =	vadd.f32 v35, v1;
	v0 =	vmul.f32 v0, v9  }
0xd6: {  	v39 =	vld [tilespmem:s20+$0x7400]  }
0xd7: {  	v41 =	vld [tilespmem:s20+$0x5600];
	v40 =	vmul.f32 v34, v33;
	v0 =	vadd.f32 v0, v1  }
0xd8: {  	v42 =	vld [tilespmem:s20+$0x7600]  }
0xd9: {  	v44 =	vld [tilespmem:s20+$0x5800];
	v43 =	vmul.f32 v37, v36;
	v0 =	vadd.f32 v40, v0  }
0xda: {  	v45 =	vld [tilespmem:s20+$0x7800]  }
0xdb: {  	v47 =	vld [tilespmem:s20+$0x5A00];
	v46 =	vmul.f32 v39, v38;
	v0 =	vadd.f32 v43, v0  }
0xdc: {  	v48 =	vld [tilespmem:s20+$0x7A00]  }
0xdd: {  	v50 =	vld [tilespmem:s20+$0x5C00];
	v49 =	vmul.f32 v42, v41;
	v0 =	vadd.f32 v46, v0  }
0xde: {  	v51 =	vld [tilespmem:s20+$0x7C00]  }
0xdf: {  	v53 =	vld [tilespmem:s20+$0x5E00];
	v52 =	vmul.f32 v45, v44;
	v0 =	vadd.f32 v49, v0  }
0xe0: {  	v54 =	vld [tilespmem:s20+$0x7E00]  }
0xe1: {  	v56 =	vld [tilespmem:s20+$0x6000];
	v55 =	vmul.f32 v48, v47;
	v0 =	vadd.f32 v52, v0  }
0xe2: {  	v57 =	vld [tilespmem:s20+$0x8000]  }
0xe3: {  	v59 =	vld [tilespmem:s20+$0x6200];
	v58 =	vmul.f32 v51, v50;
	v0 =	vadd.f32 v55, v0  }
0xe4: {  	v60 =	vld [tilespmem:s20+$0x8200]  }
0xe5: {  	v61 =	vmul.f32 v54, v53;
	v0 =	vadd.f32 v58, v0;
	_ =	sdelay $0x1  }
0xe6: {  	v62 =	vmul.f32 v57, v56;
	v0 =	vadd.f32 v61, v0;
	_ =	sdelay $0x1  }
0xe7: {  	v63 =	vmul.f32 v60, v59;
	v0 =	vadd.f32 v62, v0;
	_ =	sdelay $0x1  }
0xe8: {  	v0 =	vadd.f32 v63, v0;
	_ =	sdelay $0x1  }
0xe9: {  	s18 =	sadd.s32 $0x1, s18;
	v0 =	vmul.f32 $8.000000110e-01, v0  }
0xea: {  	p0 =	sne.s32 s18, s8  }
.Ltmp2:
0xeb: {  	[tilespmem:s20+$0x8400] =	vst v0;
	(pc) =	sbr.rel @p0 .LBB2_1-.Ltmp2, $4  }
0xec: {  	[hbm4b:s7+s2] =	stream.linear.scatter [tilespmem:s17], [sflag:$0x2], $0x200, $0x38;
	[tilespmem:$0x8600] =	vst v63  }
0xed: {  	_ =	swait.ge [sflag:s9], $0x200  }
0xee: {  	[sflag:s9] =	ssyncset.done $0x0  }
0xef: {  	[sflag:s9] =	ssyncadd.s32 $0xFFFFFE00  }
0xf0: {  	_ =	sfence.sel $0x180000  }
0xf1: {  	[bflag:$0x0] =	sbarrier.arrive $0xFFFF  }
0xf2: {  	p0 =	sne.s32 s1, $0x0;
	_ =	strace $0x90000047  }
0xf3: {  	s0 =	sadd.s32 @!p0 $0x100000, s0;
	[bflag:$0x2] =	sbarrier.arrive $0xFFFF  }
0xf4: {  	[sflag:s0] =	ssyncadd.tile.s32 @!p0 $0x1;
	_ =	shalt  }
.Lfunc_end2:
_tile_overlayer_lowered:
.L_overlay_start_2:
0xf5: {  	(tag) =	ssettag $0x2  }
0xf6: {  	s0 =	rddreg [dreg:$0x0];
	s2 =	stileid.u32  }
0xf7: {  	s1 =	rddreg [dreg:$0x1];
	p0 =	sne.s32 s2, $0x0  }
0xf8: {  	s3 =	rddreg [dreg:$0x2];
	[bflag:$0x3] =	sbarrier.arrive $0xFFFF;
	s2 =	simm.s32 @!p0 $0x1C02  }
0xf9: {  	[timem:s3], [sflag:s2] =	dma.local @!p0 [hbm:s0], s1  }
0xfa: {  	s0 =	simm.s32 @!p0 $0x2  }
0xfb: {  	_ =	swait.ge @!p0 [sflag:s0], s1  }
0xfc: {  	s1 =	ssub.s32 @!p0 $0x0, s1;
	[sflag:s0] =	ssyncset.done @!p0 $0x0  }
0xfd: {  	[sflag:s0] =	ssyncadd.s32 @!p0 s1  }
0xfe: {  	[bflag:$0x3] =	sbarrier.arrive $0xFFFF  }
0xff: {  	_ =	shalt  }

// kernel: kernel.9.cloned.1.call-start
scs
__scs_entry_jumppad:
0x0: {  	(pc) =	sbr.rel $0x88, $3  }
0x1: {  	(tag) =	ssettag $0x0;
	lr =	simm.s32 $0x1  }
0x2: {  	[smem:$0x3F92] =	sst lr;
	_ =	strace $0xD0000000  }
0x3: {  	_ = 	snop  }
0x4: {  	_ = 	snop  }
0x5: {  	_ = 	snop  }
0x6: {  	_ = 	snop  }
0x7: {  	_ = 	snop  }
__scs_overlays_trampoline_lowered:
0x8: {  	[smem:$0x3FA1] =	sst s0  }
0x9: {  	[smem:$0x3FA2] =	sst s1  }
0xa: {  	[smem:$0x3FA3] =	sst s2  }
0xb: {  	[smem:$0x3FA4] =	sst s3  }
0xc: {  	[smem:$0x3FA5] =	sst s4  }
0xd: {  	[smem:$0x3FA6] =	sst s5  }
0xe: {  	[smem:$0x3FA7] =	sst s6  }
0xf: {  	[smem:$0x3FA8] =	sst s7  }
0x10: {  	[smem:$0x3FA9] =	sst s8  }
0x11: {  	[smem:$0x3FAA] =	sst s9;
	s0 =	simm.s32 @!p0 $0x0  }
0x12: {  	s1 =	sld [smem:$0x3F90];
	s0 =	simm.s32 @p0 $0x1  }
0x13: {  	[smem:$0x3FAB] =	sst s0;
	s0 =	simm.s32 @!p1 $0x0  }
0x14: {  	s2 =	sld [smem:$0x3F8F];
	s0 =	simm.s32 @p1 $0x1  }
0x15: {  	[smem:$0x3FAC] =	sst s0;
	s0 =	simm.s32 @!p2 $0x0  }
0x16: {  	s3 =	sld [smem:$0x3FDB];
	s0 =	simm.s32 @p2 $0x1  }
0x17: {  	s4 =	simm.s32 $0x1BF5;
	[smem:$0x3FAE] =	sst s0  }
0x18: {  	s0 =	sld [smem:$0x3F91];
	_ =	swait.ge [sflag:s4], $0x0  }
0x19: {  	s7 =	sld [smem:$0x3F92]  }
0x1a: {  	s8 =	sadd.s32 $0xFFFFE003, lr  }
0x1b: {  	s9 =	sadd.s32 $0xFFFFFEF7, lr;
	s5 =	simm.s32 $0xFFFFFFFF;
	p2 =	slt.u32 s8, $0xFFFFF086  }
0x1c: {  	p1 =	slt.u32 s9, $0xF7A;
	s5 =	simm.s32 @!p2 $0x0  }
0x1d: {  	s5 =	simm.s32 @p1 $0x1;
	p0 =	seq.s32 s7, s2  }
0x1e: {  	s7 =	smul.u32 @!p0 $0xF7A, s2;
	p2 =	seq.s32 @!p0 s5, $0x0  }
0x1f: {  	s9 =	smul.u32 $0xF7A, s1;
	s8 =	simm.s32 @!p0 $0x1BF5;
	p2 =	por !p2, p0  }
0x20: {  	[sflag:s8] =	ssyncset.s32 @!p0 $0xFFFFF086;
	s6 =	sadd.s32 @!p0 s3, s7;
	s7 =	simm.s32 @!p0 $0x108  }
0x21: {  	s3 =	sadd.s32 s3, s9;
	s6 =	sadd.s32 @!p0 $0x88, s6;
	s7 =	simm.s32 @p2 $0x1082  }
0x22: {  	[simem:s7], [sflag:s8] =	dma.local @!p0 [hbm:s6], $0xF7A  }
0x23: {  	s9 =	sor.u32 $0xD0000000, s2;
	s6 =	simm.s32 $0x108;
	_ =	swait.ge @!p0 [sflag:s8], $0x0  }
0x24: {  	s3 =	sadd.s32 $0x88, s3;
	s6 =	simm.s32 @!p1 $0x1082;
	[sflag:s4] =	ssyncset.s32 $0xFFFFF086  }
0x25: {  	[simem:s6], [sflag:s4] =	dma.local [hbm:s3], $0xF7A  }
0x26: {  	[smem:$0x3F92] =	sst s1;
	(tag) =	ssettag s2;
	_ =	strace s9  }
0x27: {  	s1 =	sld [smem:$0x3FA2]  }
0x28: {  	s2 =	sld [smem:$0x3FA3]  }
0x29: {  	s4 =	sld [smem:$0x3FA5]  }
0x2a: {  	p0 =	seq.s32 s5, $0x0;
	s5 =	sld [smem:$0x3FA6]  }
0x2b: {  	s6 =	sld [smem:$0x3FA7]  }
0x2c: {  	s7 =	sld [smem:$0x3FA8]  }
0x2d: {  	s3 =	simm.s32 $0x108;
	s8 =	sld [smem:$0x3FA9]  }
0x2e: {  	s3 =	simm.s32 @!p0 $0x1082;
	s9 =	sld [smem:$0x3FAA]  }
0x2f: {  	lr =	sadd.s32 s0, s3;
	s0 =	sld [smem:$0x3FA1]  }
0x30: {  	s3 =	sld [smem:$0x3FA4]  }
0x31: {  	[smem:$0x3FAD] =	sst s10  }
0x32: {  	s10 =	sld [smem:$0x3FAB];
	_ =	sdelay $0x3  }
0x33: {  	p0 =	seq.s32 s10, $0x1;
	s10 =	sld [smem:$0x3FAD];
	_ =	sdelay $0x3  }
0x34: {  	[smem:$0x3FAD] =	sst s10  }
0x35: {  	s10 =	sld [smem:$0x3FAC];
	_ =	sdelay $0x3  }
0x36: {  	p1 =	seq.s32 s10, $0x1;
	s10 =	sld [smem:$0x3FAD];
	_ =	sdelay $0x3  }
0x37: {  	[smem:$0x3FAD] =	sst s10  }
0x38: {  	s10 =	sld [smem:$0x3FAE]  }
0x39: {  	_ = 	snop;
	(pc) =	sbr.ind lr, $3  }
0x3a: {  	_ = 	snop  }
0x3b: {  	_ = 	snop  }
0x3c: {  	p2 =	seq.s32 s10, $0x1;
	s10 =	sld [smem:$0x3FAD]  }
0x3d: {  	_ =	shalt  }
0x3e: {  	_ =	shalt  }
0x3f: {  	_ =	shalt  }
0x40: {  	_ =	shalt  }
0x41: {  	_ =	shalt  }
0x42: {  	_ =	shalt  }
0x43: {  	_ =	shalt  }
0x44: {  	_ =	shalt  }
0x45: {  	_ =	shalt  }
0x46: {  	_ =	shalt  }
0x47: {  	_ =	shalt  }
0x48: {  	_ =	shalt  }
0x49: {  	_ =	shalt  }
0x4a: {  	_ =	shalt  }
0x4b: {  	_ =	shalt  }
0x4c: {  	_ =	shalt  }
0x4d: {  	_ =	shalt  }
0x4e: {  	_ =	shalt  }
0x4f: {  	_ =	shalt  }
0x50: {  	_ =	shalt  }
0x51: {  	_ =	shalt  }
0x52: {  	_ =	shalt  }
0x53: {  	_ =	shalt  }
0x54: {  	_ =	shalt  }
0x55: {  	_ =	shalt  }
0x56: {  	_ =	shalt  }
0x57: {  	_ =	shalt  }
0x58: {  	_ =	shalt  }
0x59: {  	_ =	shalt  }
0x5a: {  	_ =	shalt  }
0x5b: {  	_ =	shalt  }
0x5c: {  	_ =	shalt  }
0x5d: {  	_ =	shalt  }
0x5e: {  	_ =	shalt  }
0x5f: {  	_ =	shalt  }
0x60: {  	_ =	shalt  }
0x61: {  	_ =	shalt  }
0x62: {  	_ =	shalt  }
0x63: {  	_ =	shalt  }
0x64: {  	_ =	shalt  }
0x65: {  	_ =	shalt  }
0x66: {  	_ =	shalt  }
0x67: {  	_ =	shalt  }
0x68: {  	_ =	shalt  }
0x69: {  	_ =	shalt  }
0x6a: {  	_ =	shalt  }
0x6b: {  	_ =	shalt  }
0x6c: {  	_ =	shalt  }
0x6d: {  	_ =	shalt  }
0x6e: {  	_ =	shalt  }
0x6f: {  	_ =	shalt  }
0x70: {  	_ =	shalt  }
0x71: {  	_ =	shalt  }
0x72: {  	_ =	shalt  }
0x73: {  	_ =	shalt  }
0x74: {  	_ =	shalt  }
0x75: {  	_ =	shalt  }
0x76: {  	_ =	shalt  }
0x77: {  	_ =	shalt  }
0x78: {  	_ =	shalt  }
0x79: {  	_ =	shalt  }
0x7a: {  	_ =	shalt  }
0x7b: {  	_ =	shalt  }
0x7c: {  	_ =	shalt  }
0x7d: {  	_ =	shalt  }
0x7e: {  	_ =	shalt  }
0x7f: {  	_ =	shalt  }
0x80: {  	_ =	shalt  }
0x81: {  	_ =	shalt  }
0x82: {  	_ =	shalt  }
0x83: {  	_ =	shalt  }
0x84: {  	_ =	shalt  }
0x85: {  	_ =	shalt  }
0x86: {  	_ =	shalt  }
0x87: {  	_ =	shalt  }
.Lfunc_end0:
.L_simem_size_0:
called_computation.1_lowered:
.L_overlay_start_0:
0x88: {  	s2 =	sld [smem:$0x3FD9]  }
0x89: {  	s3 =	sld [smem:$0x3FFE];
	_ =	sdelay $0x1  }
0x8a: {  	s1 =	srdreg.scid  }
0x8b: {  	s0 =	sand.u32 $0x1, s1  }
0x8c: {  	s17 =	sshll.u32 s0, $0xA;
	s2 =	sadd.s32 s3, s2  }
0x8d: {  	s2 =	sadd.s32 s2, s17  }
0x8e: {  	[smem:$0x3FB9] =	sst s2  }
0x8f: {  	_ = 	snop  }
0x90: {  	s2 =	sld [smem:$0x3FD0];
	(tm) =	ssettm $0x1  }
0x91: {  	s18 =	sld [smem:$0x3FFB];
	_ =	sdelay $0x3  }
0x92: {  	_ =	strace s18  }
0x93: {  	s3 =	sld [smem:$0x3FFC];
	_ =	sdelay $0x3  }
0x94: {  	_ =	strace s3  }
0x95: {  	s3 =	sld [smem:$0x3FFD];
	_ =	sdelay $0x3  }
0x96: {  	_ =	strace s3  }
0x97: {  	_ =	strace $0x8FFFFFFF  }
0x98: {  	s19 =	sld [smem:$0x3FDB];
	_ =	sdelay $0x1  }
0x99: {  	s4 =	simm.s32 $_scs_section_size  }
0x9a: {  	s5 =	simm.s32 $_size__tile_overlayer_lowered;
	s6 =	simm.s32 $_tile_overlayer_lowered  }
0x9b: {  	s22 =	simm.s32 $0x1BFF;
	s21 =	sshll.u32 s6, $0x1;
	s3 =	sadd.s32 s4, s19  }
0x9c: {  	s7 =	simm.s32 $0x0;
	s20 =	sshll.u32 s5, $0x1;
	s5 =	sadd.s32 s21, s3  }
0x9d: {  	[timem:s7], [sflag:s22] =	dma.local [hbm:s5], s20  }
0x9e: {  	_ =	swait.ge [sflag:s22], s20  }
0x9f: {  	s4 =	ssub.s32 $0x0, s20;
	[sflag:s22] =	ssyncset.done $0x0  }
0xa0: {  	[sflag:s22] =	ssyncadd.s32 s4;
	_ =	sdelay $0x1  }
0xa1: {  	s23 =	simm.s32 $0x1B8B  }
0xa2: {  	_ =	swait.ge [sflag:s23], $0x1  }
0xa3: {  	[sflag:s23] =	ssyncset.done $0x0  }
0xa4: {  	s25 =	simm.s32 $0x1B8E;
	s24 =	sld [smem:$0x3FFE];
	[sflag:s23] =	ssyncadd.s32 $0xFFFFFFFF  }
0xa5: {  	s26 =	simm.s32 $execute0_lowered;
	[smem:$0x3FD2] =	sst s25  }
0xa6: {  	s5 =	sshll.u32 s26, $0x1;
	_ =	strace $0x80000049;
	[dreg:$0x1] =	wrdreg $0xFFFFFFFF  }
0xa7: {  	s28 =	simm.s32 $_size_execute0_lowered;
	s3 =	sadd.s32 s3, s5;
	[dreg:$0x0] =	wrdreg $0x0  }
0xa8: {  	s5 =	sshll.u32 s28, $0x1;
	[dreg:$0x2] =	wrdreg s3  }
0xa9: {  	[dreg:$0x3] =	wrdreg s5  }
0xaa: {  	[dreg:$0x4] =	wrdreg $0xC0  }
0xab: {  	_ =	task [dreg:s7], $0x5FFFF  }
0xac: {  	[dreg:$0x1] =	wrdreg $0xFFFFFFFF  }
0xad: {  	[dreg:$0x0] =	wrdreg $0x60  }
0xae: {  	[dreg:$0x2] =	wrdreg s24  }
0xaf: {  	[dreg:$0x3] =	wrdreg s2  }
0xb0: {  	[dreg:$0x4] =	wrdreg $0x9  }
0xb1: {  	_ =	task.clear_ibuf [dreg:s7], $0x5FFFF;
	_ =	strace $0x90000049  }
0xb2: {  	s29 =	simm.s32 $0x9;
	_ =	strace $0x8000004B  }
0xb3: {  	_ =	swait.ge [sflag:s29], $0x1  }
0xb4: {  	[sflag:s29] =	ssyncadd.s32 $0xFFFFFFFF  }
0xb5: {  	_ =	strace $0x9000004B  }
0xb6: {  	_ =	sfence  }
0xb7: {  	s30 =	sld [smem:$0x0];
	_ =	sdelay $0x2  }
0xb8: {  	s31 =	sshll.u32 s1, $0xD;
	s1 =	sshrl.u32 s1, $0x2  }
0xb9: {  	s3 =	sand.u32 $0x4000, s31;
	s1 =	sadd.s32 s1, s30  }
0xba: {  	s0 =	sor.u32 s3, s0;
	s1 =	sshll.u32 s1, $0x11  }
0xbb: {  	s0 =	sor.u32 s1, s0  }
0xbc: {  	s0 =	sadd.s32 $0x8F2B, s0  }
0xbd: {  	[sflag:s0] =	ssyncadd.remote.s32 $0x1  }
0xbe: {  	_ =	sfence.sel $0xFFFF  }
0xbf: {  	[dreg:$0x0] =	wrdreg $0xFFFFFFFF;
	(pc) =	sbr.abs _section_cstart, $3  }
0xc0: {  	[dreg:$0x1] =	wrdreg $0xFFFFFFFF  }
0xc1: {  	_ =	task.clear_ibuf [dreg:s7], $0x2FFFF;
	_ =	strace $0x9FFFFFFF  }
0xc2: {  	(tm) =	ssettm $0x7FFFFFFF  }
0xc3: {  	_ =	shalt  }
tec
execute0_lowered:
.L_overlay_start_1:
0x0: {  	(tag) =	ssettag $0x1  }
0x1: {  	s4 =	rddreg [dreg:$0x0]  }
0x2: {  	s8 =	rddreg [dreg:$0x1]  }
0x3: {  	s0 =	rddreg [dreg:$0x2];
	s3 =	srdreg.scid  }
0x4: {  	s2 =	simm.s32 $0x0;
	s1 =	stileid.u32;
	s11 =	simm.s32 $0x200  }
0x5: {  	s12 =	simm.s32 $0x800;
	s13 =	simm.s32 $0x400;
	s14 =	simm.s32 $0x600  }
0x6: {  	s15 =	simm.s32 $0x1;
	s16 =	simm.s32 $0xA00;
	s17 =	simm.s32 $0x0  }
0x7: {  	s3 =	sand.u32 $0x1, s3;
	[smem:$0x7FF] =	sst s2;
	s5 =	sshll.u32 s1, $0x7  }
0x8: {  	s6 =	sshll.u32 s3, $0x6;
	_ =	strace $0x8000004A;
	s30 =	ssub.s32 $0x2, s3  }
0x9: {  	s3 =	sadd.s32 $0x421200, s4;
	s9 =	sor.u32 s6, s5;
	s31 =	sshrl.u32 s30, $0x1  }
0xa: {  	s7 =	sadd.s32 s9, s4;
	s4 =	sadd.s32 $0x402800, s4;
	s10 =	ssub.s32 s30, s31  }
0xb: {  	s8 =	sadd.s32 s8, s9;
	s5 =	sadd.s32 $0x1800, s7;
	s6 =	sadd.s32 $0x1000, s7  }
0xc: {  	s7 =	sadd.s32 $0x402000, s7;
	s9 =	smax.u32 s10, $0x1;
	s10 =	simm.s32 $0x2  }
.LBB2_1:
0xd: {  	[tilespmem:s2], [sflag:$0x2] =	stream.linear.gather [hbm4b:s5+s2], $0x200, $0x38;
	[tilespmem:$0xC00] =	vst v63  }
0xe: {  	_ =	swait.ge [sflag:s10], $0x200  }
0xf: {  	[sflag:s10] =	ssyncset.done $0x0  }
0x10: {  	[sflag:s10] =	ssyncadd.s32 $0xFFFFFE00  }
0x11: {  	[tilespmem:s11], [sflag:$0x2] =	stream.linear.gather [hbm4b:s6+s2], $0x200, $0x38;
	[tilespmem:$0xC00] =	vst v63  }
0x12: {  	_ =	swait.ge [sflag:s10], $0x200  }
0x13: {  	[sflag:s10] =	ssyncset.done $0x0  }
0x14: {  	[sflag:s10] =	ssyncadd.s32 $0xFFFFFE00  }
0x15: {  	[tilespmem:s12], [sflag:$0x2] =	stream.linear.gather [hbm4b:s7+s2], $0x200, $0x38;
	[tilespmem:$0xC00] =	vst v63  }
0x16: {  	_ =	swait.ge [sflag:s10], $0x200  }
0x17: {  	[sflag:s10] =	ssyncset.done $0x0  }
0x18: {  	s18 =	simm.s32 $0x0;
	[sflag:s10] =	ssyncadd.s32 $0xFFFFFE00  }
0x19: {  	s19 =	simm.s32 $0x40;
	v0 =	vld [tilespmem:s18+$0x0]  }
.LBB2_2:
0x1a: {  	p0 =	sne.s32 s19, $0x7C0;
	v1 =	vld [tilespmem:s18+$0x200];
	_ =	sdelay $0x3  }
.Ltmp0:
0x1b: {  	v2 =	vadd.s32 $0xFFFFFFFF, v0;
	(pc) =	sbr.rel @p0 .LBB2_2-.Ltmp0, $4  }
0x1c: {  	v0 =	vadd.s32 $0xF423F, v0;
	vm0 =	vlt.s32 v2, $0x0;
	v3 =	vadd.s32 $0xFFFFFFFF, v1  }
0x1d: {  	v1 =	vadd.s32 $0xF423F, v1;
	v0 =	vsel vm0, v0, v2;
	vm0 =	vlt.s32 v3, $0x0  }
0x1e: {  	s20 =	sshra.s32 s19, $0x2;
	[tilespmem:s18+$0x0] =	vst v0;
	v1 =	vsel vm0, v1, v3  }
0x1f: {  	s19 =	sadd.s32 $0x40, s19;
	v0 =	vld [tilespmem:s20+$0x0];
	[tilespmem:s18+$0x200] =	vst v1;
	s18 =	smov.u32 s20  }
0x20: {  	v1 =	vld [tilespmem:s18+$0x200];
	_ =	sdelay $0x3  }
0x21: {  	v2 =	vadd.s32 $0xFFFFFFFF, v0  }
0x22: {  	v0 =	vadd.s32 $0xF423F, v0;
	vm0 =	vlt.s32 v2, $0x0;
	v3 =	vadd.s32 $0xFFFFFFFF, v1  }
0x23: {  	v1 =	vadd.s32 $0xF423F, v1;
	v0 =	vsel vm0, v0, v2;
	vm15 =	vlt.s32 v3, $0x0  }
0x24: {  	[tilespmem:s18+$0x0] =	vst v0;
	v0 =	vsel vm15, v1, v3  }
0x25: {  	s31 =	simm.s32 $0x0;
	[tilespmem:s18+$0x200] =	vst v0  }
0x26: {  	[tilespmem:s13], [sflag:$0x1] =	stream.indirect.gather [hbm4b:s3+s11], $0x1, s31, s11, $0xb8;
	[tilespmem:$0xC00] =	vst v63  }
0x27: {  	_ = 	snop  }
0x28: {  	[tilespmem:s14], [sflag:$0x1] =	stream.indirect.gather [hbm4b:s4+s11], $0x1, s11, s11, $0xb8;
	[tilespmem:$0xC00] =	vst v63  }
0x29: {  	_ =	swait.ge [sflag:s15], $0x200  }
0x2a: {  	[sflag:s15] =	ssyncset.done $0x0  }
0x2b: {  	[sflag:s15] =	ssyncadd.s32 $0xFFFFFE00  }
0x2c: {  	_ =	swait.ge [sflag:s15], $0x200  }
0x2d: {  	[sflag:s15] =	ssyncset.done $0x0  }
0x2e: {  	s18 =	simm.s32 $0x0;
	[sflag:s15] =	ssyncadd.s32 $0xFFFFFE00  }
0x2f: {  	v0 =	vld [tilespmem:s18+$0x800]  }
0x30: {  	v1 =	vld [tilespmem:s18+$0x400];
	_ =	sdelay $0x1  }
0x31: {  	v2 =	vld [tilespmem:s18+$0x600]  }
0x32: {  	s19 =	simm.s32 $0x40  }
.LBB2_4:
0x33: {  	s20 =	sshra.s32 s19, $0x2;
	p0 =	sne.s32 s19, $0x7C0  }
.Ltmp1:
0x34: {  	s19 =	sadd.s32 $0x40, s19;
	v3 =	vadd.f32 v1, v0;
	v0 =	vld [tilespmem:s20+$0x800];
	(pc) =	sbr.rel @p0 .LBB2_4-.Ltmp1, $4  }
0x35: {  	v1 =	vld [tilespmem:s20+$0x400]  }
0x36: {  	v3 =	vadd.f32 v2, v3  }
0x37: {  	v2 =	vld [tilespmem:s20+$0x600]  }
0x38: {  	[tilespmem:s18+$0xA00] =	vst v3;
	s18 =	smov.u32 s20  }
0x39: {  	_ = 	snop  }
0x3a: {  	v0 =	vadd.f32 v1, v0;
	_ =	sdelay $0x1  }
0x3b: {  	s17 =	sadd.s32 $0x1, s17;
	v0 =	vadd.f32 v2, v0  }
0x3c: {  	p0 =	sne.s32 s17, s9  }
.Ltmp2:
0x3d: {  	[tilespmem:s18+$0xA00] =	vst v0;
	(pc) =	sbr.rel @p0 .LBB2_1-.Ltmp2, $4  }
0x3e: {  	[hbm4b:s8+s2] =	stream.linear.scatter [tilespmem:s16], [sflag:$0x2], $0x200, $0x38;
	[tilespmem:$0xC00] =	vst v63  }
0x3f: {  	_ =	swait.ge [sflag:s10], $0x200  }
0x40: {  	[sflag:s10] =	ssyncset.done $0x0  }
0x41: {  	[sflag:s10] =	ssyncadd.s32 $0xFFFFFE00  }
0x42: {  	_ =	sfence.sel $0x180000  }
0x43: {  	[bflag:$0x0] =	sbarrier.arrive $0xFFFF  }
0x44: {  	p0 =	sne.s32 s1, $0x0;
	_ =	strace $0x9000004A  }
0x45: {  	s0 =	sadd.s32 @!p0 $0x100000, s0;
	[bflag:$0x2] =	sbarrier.arrive $0xFFFF  }
0x46: {  	[sflag:s0] =	ssyncadd.tile.s32 @!p0 $0x1;
	_ =	shalt  }
.Lfunc_end2:
_tile_overlayer_lowered:
.L_overlay_start_2:
0x47: {  	(tag) =	ssettag $0x2  }
0x48: {  	s0 =	rddreg [dreg:$0x0];
	s2 =	stileid.u32  }
0x49: {  	s1 =	rddreg [dreg:$0x1];
	p0 =	sne.s32 s2, $0x0  }
0x4a: {  	s3 =	rddreg [dreg:$0x2];
	[bflag:$0x3] =	sbarrier.arrive $0xFFFF;
	s2 =	simm.s32 @!p0 $0x1C02  }
0x4b: {  	[timem:s3], [sflag:s2] =	dma.local @!p0 [hbm:s0], s1  }
0x4c: {  	s0 =	simm.s32 @!p0 $0x2  }
0x4d: {  	_ =	swait.ge @!p0 [sflag:s0], s1  }
0x4e: {  	s1 =	ssub.s32 @!p0 $0x0, s1;
	[sflag:s0] =	ssyncset.done @!p0 $0x0  }
0x4f: {  	[sflag:s0] =	ssyncadd.s32 @!p0 s1  }
0x50: {  	[bflag:$0x3] =	sbarrier.arrive $0xFFFF  }
0x51: {  	_ =	shalt  }

</sc_bundles>
